<compile_context>
chip_gen: v7x
topology: tpu7x:2x2x1
jax: 0.10.2.dev20260603
libtpu: 0.0.44.dev20260713+nightly
codegen_flags: <defaults>
</compile_context>

<pallas_src>
import functools

import jax
import jax.numpy as jnp
from jax import lax
from jax.experimental import pallas as pl
from jax.experimental.pallas import tpu as pltpu
from jax.experimental.pallas import tpu_sc as plsc

_NBUF = 4
_G = 2


def kernel(indices, table):
    B, L = indices.shape
    V, D = table.shape
    idx = indices.astype(jnp.int32).reshape(B // _G, _G * L)

    info = plsc.get_sparse_core_info()
    NC, NS = info.num_cores, info.num_subcores
    NW = NC * NS
    SPW = B // NW
    GPW = SPW // _G
    LANES = 16
    n_chunks = (D + LANES - 1) // LANES
    offs = [min(c * LANES, D - LANES) for c in range(n_chunks)]

    mesh = plsc.VectorSubcoreMesh(core_axis_name="c", subcore_axis_name="s")

    @functools.partial(
        pl.kernel,
        mesh=mesh,
        out_type=jax.ShapeDtypeStruct((B, D), jnp.float32),
        compiler_params=pltpu.CompilerParams(use_tc_tiling_on_sc=False),
        scratch_types=[pltpu.VMEM((_G * L,), jnp.int32) for _ in range(_NBUF)]
        + [
            pltpu.VMEM((_NBUF, _G * L, D), jnp.float32),
            pltpu.VMEM((SPW, D), jnp.float32),
        ]
        + [pltpu.SemaphoreType.DMA] * _NBUF
        + [pltpu.SemaphoreType.DMA] * _NBUF,
    )
    def emb(idx_hbm, table_hbm, out_hbm, *scratch):
        idx_bufs = scratch[:_NBUF]
        rows_v = scratch[_NBUF]
        out_v = scratch[_NBUF + 1]
        sems = scratch[_NBUF + 2:_NBUF + 2 + _NBUF]
        isems = scratch[_NBUF + 2 + _NBUF:]
        wid = lax.axis_index("s") * NC + lax.axis_index("c")
        gbase = wid * GPW

        def stage_idx(g, b):
            pltpu.async_copy(idx_hbm.at[gbase + g], idx_bufs[b], isems[b])

        def gather(b):
            pltpu.make_async_copy(
                idx_hbm.at[gbase], idx_bufs[b], isems[b]
            ).wait()
            pltpu.async_copy(table_hbm.at[idx_bufs[b]], rows_v.at[b], sems[b])

        for b in range(_NBUF):
            stage_idx(b, b)
        for b in range(_NBUF):
            gather(b)

        scale = jnp.float32(1.0 / L)

        def outer(i, carry):
            for b in range(_NBUF):
                g = i * _NBUF + b
                pltpu.make_async_copy(
                    table_hbm.at[idx_bufs[b]], rows_v.at[b], sems[b]
                ).wait()
                for s2 in range(_G):
                    rb = s2 * L

                    def row(l, accs):
                        return tuple(
                            accs[c] + rows_v[b, rb + l, pl.ds(offs[c], LANES)]
                            for c in range(n_chunks)
                        )

                    zeros = (jnp.zeros((LANES,), jnp.float32),) * n_chunks
                    accs = lax.fori_loop(0, L, row, zeros)
                    so = g * _G + s2
                    for c in range(n_chunks):
                        out_v[so, pl.ds(offs[c], LANES)] = accs[c] * scale

                nxt = g + _NBUF

                @pl.when(nxt < GPW)
                def _start_next():
                    stage_idx(nxt, b)
                    gather(b)
            return carry

        lax.fori_loop(0, GPW // _NBUF, outer, 0)
        pltpu.sync_copy(out_v, out_hbm.at[pl.ds(wid * SPW, SPW)])

    return emb(idx, table)

# --- scband reference (transcript-rebuilt; emitter-appended) ---
"""Pipeline reference for scband-fast-text-embedding-25211458028024 (READ-ONLY COPY).

The authoritative reference and input builder live on the scoring server;
editing this copy changes nothing except your own understanding.
"""

import jax, jax.numpy as jnp
import numpy as np

VOCAB = 1000000
EMBED_DIM = 60
BATCH = 4096
HIST_LEN = 50


def setup_inputs(seed: int = 0) -> dict:
    key = jax.random.key(seed)
    k_idx, k_tab = jax.random.split(key)
    # token indices per sentence (pre-tokenized stand-in for simple_preprocess output)
    indices = jax.random.randint(k_idx, (BATCH, HIST_LEN), 0, VOCAB, dtype=jnp.int64)
    # FastText word-vector table (stand-in for trained_ft_model.wv)
    table = jax.random.normal(k_tab, (VOCAB, EMBED_DIM), dtype=jnp.float32)
    return {"indices": indices, "table": table}


def reference(indices, table):
    # Original module: accumulate wv[word] for each token, then divide by
    # number of tokens -> mean-pooled fasttext sentence embedding.
    emb = jnp.take(table, indices, axis=0)          # [B, L, D] gather
    summed = jnp.sum(emb, axis=1)                   # [B, D]
    out = summed / emb.shape[1]                     # divide by sentence length
    return out

if __name__ == "__main__":
    import jax
    _d = setup_inputs()
    print(jax.jit(kernel)(*tuple(_d.values())))

</pallas_src>

<mosaic_0001>
#map = affine_map<(d0, d1) -> (0, 0)>
module attributes {stable_mosaic.version = 14 : i64} {
  func.func @emb(%arg0: i32, %arg1: i32, %arg2: memref<2048x100xi32, #tpu.memory_space<hbm>>, %arg3: memref<1000000x60xf32, #tpu.memory_space<hbm>>, %arg4: memref<4096x60xf32, #tpu.memory_space<hbm>>, %arg5: memref<100xi32, #tpu.memory_space<vmem>>, %arg6: memref<100xi32, #tpu.memory_space<vmem>>, %arg7: memref<100xi32, #tpu.memory_space<vmem>>, %arg8: memref<100xi32, #tpu.memory_space<vmem>>, %arg9: memref<4x100x60xf32, #tpu.memory_space<vmem>>, %arg10: memref<128x60xf32, #tpu.memory_space<vmem>>, %arg11: memref<!tpu.dma_semaphore, #tpu.memory_space<semaphore_mem>>, %arg12: memref<!tpu.dma_semaphore, #tpu.memory_space<semaphore_mem>>, %arg13: memref<!tpu.dma_semaphore, #tpu.memory_space<semaphore_mem>>, %arg14: memref<!tpu.dma_semaphore, #tpu.memory_space<semaphore_mem>>, %arg15: memref<!tpu.dma_semaphore, #tpu.memory_space<semaphore_mem>>, %arg16: memref<!tpu.dma_semaphore, #tpu.memory_space<semaphore_mem>>, %arg17: memref<!tpu.dma_semaphore, #tpu.memory_space<semaphore_mem>>, %arg18: memref<!tpu.dma_semaphore, #tpu.memory_space<semaphore_mem>>) attributes {dimension_semantics = [#tpu.dimension_semantics<core_parallel>, #tpu.dimension_semantics<subcore_parallel>], iteration_bounds = array<i64: 2, 16>, scalar_prefetch = 0 : i64, scratch_operands = 14 : i64, tpu.core_type = #tpu.core_type<sc_vector_subcore>, window_params = [{transform_indices = #map}, {transform_indices = #map}, {transform_indices = #map}]} {
    %mul3A = arith.constant 2 : i32
    %mul3A_0 = arith.muli %arg1, %mul3A : i32
    %add3A = arith.addi %mul3A_0, %arg0 : i32
    %mul3A_1 = arith.constant 64 : i32
    %mul3A_2 = arith.muli %add3A, %mul3A_1 : i32
    %add3A_3 = arith.constant 0 : i32
    %add3A_4 = arith.addi %mul3A_2, %add3A_3 : i32
    %dma_start3A = arith.constant 0 : i32
    %dma_start3A_5 = tpu.memref_slice %arg2[%add3A_4, %dma_start3A] : memref<2048x100xi32, #tpu.memory_space<hbm>> -> memref<1x100xi32, #tpu.memory_space<hbm>>
    %dma_start3A_6 = tpu.memref_squeeze %dma_start3A_5 : memref<1x100xi32, #tpu.memory_space<hbm>> -> memref<100xi32, #tpu.memory_space<hbm>>
    %dma_start3A_7 = arith.constant 0 : i32
    %dma_start3A_8 = tpu.memref_slice %arg2[%add3A_4, %dma_start3A_7] : memref<2048x100xi32, #tpu.memory_space<hbm>> -> memref<1x100xi32, #tpu.memory_space<hbm>>
    %dma_start3A_9 = tpu.memref_squeeze %dma_start3A_8 : memref<1x100xi32, #tpu.memory_space<hbm>> -> memref<100xi32, #tpu.memory_space<hbm>>
    tpu.enqueue_dma source(%dma_start3A_9 : memref<100xi32, #tpu.memory_space<hbm>>) target(%arg5 : memref<100xi32, #tpu.memory_space<vmem>>) target_semaphore(%arg15 : memref<!tpu.dma_semaphore, #tpu.memory_space<semaphore_mem>>)
    %add3A_10 = arith.constant 1 : i32
    %add3A_11 = arith.addi %mul3A_2, %add3A_10 : i32
    %dma_start3A_12 = arith.constant 0 : i32
    %dma_start3A_13 = tpu.memref_slice %arg2[%add3A_11, %dma_start3A_12] : memref<2048x100xi32, #tpu.memory_space<hbm>> -> memref<1x100xi32, #tpu.memory_space<hbm>>
    %dma_start3A_14 = tpu.memref_squeeze %dma_start3A_13 : memref<1x100xi32, #tpu.memory_space<hbm>> -> memref<100xi32, #tpu.memory_space<hbm>>
    %dma_start3A_15 = arith.constant 0 : i32
    %dma_start3A_16 = tpu.memref_slice %arg2[%add3A_11, %dma_start3A_15] : memref<2048x100xi32, #tpu.memory_space<hbm>> -> memref<1x100xi32, #tpu.memory_space<hbm>>
    %dma_start3A_17 = tpu.memref_squeeze %dma_start3A_16 : memref<1x100xi32, #tpu.memory_space<hbm>> -> memref<100xi32, #tpu.memory_space<hbm>>
    tpu.enqueue_dma source(%dma_start3A_17 : memref<100xi32, #tpu.memory_space<hbm>>) target(%arg6 : memref<100xi32, #tpu.memory_space<vmem>>) target_semaphore(%arg16 : memref<!tpu.dma_semaphore, #tpu.memory_space<semaphore_mem>>)
    %add3A_18 = arith.constant 2 : i32
    %add3A_19 = arith.addi %mul3A_2, %add3A_18 : i32
    %dma_start3A_20 = arith.constant 0 : i32
    %dma_start3A_21 = tpu.memref_slice %arg2[%add3A_19, %dma_start3A_20] : memref<2048x100xi32, #tpu.memory_space<hbm>> -> memref<1x100xi32, #tpu.memory_space<hbm>>
    %dma_start3A_22 = tpu.memref_squeeze %dma_start3A_21 : memref<1x100xi32, #tpu.memory_space<hbm>> -> memref<100xi32, #tpu.memory_space<hbm>>
    %dma_start3A_23 = arith.constant 0 : i32
    %dma_start3A_24 = tpu.memref_slice %arg2[%add3A_19, %dma_start3A_23] : memref<2048x100xi32, #tpu.memory_space<hbm>> -> memref<1x100xi32, #tpu.memory_space<hbm>>
    %dma_start3A_25 = tpu.memref_squeeze %dma_start3A_24 : memref<1x100xi32, #tpu.memory_space<hbm>> -> memref<100xi32, #tpu.memory_space<hbm>>
    tpu.enqueue_dma source(%dma_start3A_25 : memref<100xi32, #tpu.memory_space<hbm>>) target(%arg7 : memref<100xi32, #tpu.memory_space<vmem>>) target_semaphore(%arg17 : memref<!tpu.dma_semaphore, #tpu.memory_space<semaphore_mem>>)
    %add3A_26 = arith.constant 3 : i32
    %add3A_27 = arith.addi %mul3A_2, %add3A_26 : i32
    %dma_start3A_28 = arith.constant 0 : i32
    %dma_start3A_29 = tpu.memref_slice %arg2[%add3A_27, %dma_start3A_28] : memref<2048x100xi32, #tpu.memory_space<hbm>> -> memref<1x100xi32, #tpu.memory_space<hbm>>
    %dma_start3A_30 = tpu.memref_squeeze %dma_start3A_29 : memref<1x100xi32, #tpu.memory_space<hbm>> -> memref<100xi32, #tpu.memory_space<hbm>>
    %dma_start3A_31 = arith.constant 0 : i32
    %dma_start3A_32 = tpu.memref_slice %arg2[%add3A_27, %dma_start3A_31] : memref<2048x100xi32, #tpu.memory_space<hbm>> -> memref<1x100xi32, #tpu.memory_space<hbm>>
    %dma_start3A_33 = tpu.memref_squeeze %dma_start3A_32 : memref<1x100xi32, #tpu.memory_space<hbm>> -> memref<100xi32, #tpu.memory_space<hbm>>
    tpu.enqueue_dma source(%dma_start3A_33 : memref<100xi32, #tpu.memory_space<hbm>>) target(%arg8 : memref<100xi32, #tpu.memory_space<vmem>>) target_semaphore(%arg18 : memref<!tpu.dma_semaphore, #tpu.memory_space<semaphore_mem>>)
    %dma_wait3A = arith.constant 0 : i32
    %dma_wait3A_34 = tpu.memref_slice %arg2[%mul3A_2, %dma_wait3A] : memref<2048x100xi32, #tpu.memory_space<hbm>> -> memref<1x100xi32, #tpu.memory_space<hbm>>
    %dma_wait3A_35 = tpu.memref_squeeze %dma_wait3A_34 : memref<1x100xi32, #tpu.memory_space<hbm>> -> memref<100xi32, #tpu.memory_space<hbm>>
    %dma_wait3A_36 = arith.constant 0 : i32
    %dma_wait3A_37 = tpu.memref_slice %arg2[%mul3A_2, %dma_wait3A_36] : memref<2048x100xi32, #tpu.memory_space<hbm>> -> memref<1x100xi32, #tpu.memory_space<hbm>>
    %dma_wait3A_38 = tpu.memref_squeeze %dma_wait3A_37 : memref<1x100xi32, #tpu.memory_space<hbm>> -> memref<100xi32, #tpu.memory_space<hbm>>
    tpu.wait_dma2 semaphore(%arg15 : memref<!tpu.dma_semaphore, #tpu.memory_space<semaphore_mem>>) src(%dma_wait3A_38 : memref<100xi32, #tpu.memory_space<hbm>>) dst(%arg5 : memref<100xi32, #tpu.memory_space<vmem>>)
    %dma_start3A_39 = arith.constant 0 : i32
    %dma_start3A_40 = arith.constant 0 : i32
    %dma_start3A_41 = arith.constant 0 : i32
    %dma_start3A_42 = tpu.memref_slice %arg9[%dma_start3A_39, %dma_start3A_40, %dma_start3A_41] : memref<4x100x60xf32, #tpu.memory_space<vmem>> -> memref<1x100x60xf32, #tpu.memory_space<vmem>>
    %dma_start3A_43 = tpu.memref_squeeze %dma_start3A_42 : memref<1x100x60xf32, #tpu.memory_space<vmem>> -> memref<100x60xf32, #tpu.memory_space<vmem>>
    %dma_start3A_44 = arith.constant 0 : i32
    %dma_start3A_45 = arith.constant 0 : i32
    %dma_start3A_46 = tpu.memref_slice %arg3[%dma_start3A_44, %dma_start3A_45] : memref<1000000x60xf32, #tpu.memory_space<hbm>> -> memref<1000000x60xf32, #tpu.memory_space<hbm>>
    tpu.enqueue_indirect_dma source(%dma_start3A_46 : memref<1000000x60xf32, #tpu.memory_space<hbm>>) target(%dma_start3A_43 : memref<100x60xf32, #tpu.memory_space<vmem>>) offsets(%arg5 : memref<100xi32, #tpu.memory_space<vmem>>) semaphore(%arg11 : memref<!tpu.dma_semaphore, #tpu.memory_space<semaphore_mem>>)
    %dma_wait3A_47 = arith.constant 0 : i32
    %dma_wait3A_48 = tpu.memref_slice %arg2[%mul3A_2, %dma_wait3A_47] : memref<2048x100xi32, #tpu.memory_space<hbm>> -> memref<1x100xi32, #tpu.memory_space<hbm>>
    %dma_wait3A_49 = tpu.memref_squeeze %dma_wait3A_48 : memref<1x100xi32, #tpu.memory_space<hbm>> -> memref<100xi32, #tpu.memory_space<hbm>>
    %dma_wait3A_50 = arith.constant 0 : i32
    %dma_wait3A_51 = tpu.memref_slice %arg2[%mul3A_2, %dma_wait3A_50] : memref<2048x100xi32, #tpu.memory_space<hbm>> -> memref<1x100xi32, #tpu.memory_space<hbm>>
    %dma_wait3A_52 = tpu.memref_squeeze %dma_wait3A_51 : memref<1x100xi32, #tpu.memory_space<hbm>> -> memref<100xi32, #tpu.memory_space<hbm>>
    tpu.wait_dma2 semaphore(%arg16 : memref<!tpu.dma_semaphore, #tpu.memory_space<semaphore_mem>>) src(%dma_wait3A_52 : memref<100xi32, #tpu.memory_space<hbm>>) dst(%arg6 : memref<100xi32, #tpu.memory_space<vmem>>)
    %dma_start3A_53 = arith.constant 1 : i32
    %dma_start3A_54 = arith.constant 0 : i32
    %dma_start3A_55 = arith.constant 0 : i32
    %dma_start3A_56 = tpu.memref_slice %arg9[%dma_start3A_53, %dma_start3A_54, %dma_start3A_55] : memref<4x100x60xf32, #tpu.memory_space<vmem>> -> memref<1x100x60xf32, #tpu.memory_space<vmem>>
    %dma_start3A_57 = tpu.memref_squeeze %dma_start3A_56 : memref<1x100x60xf32, #tpu.memory_space<vmem>> -> memref<100x60xf32, #tpu.memory_space<vmem>>
    %dma_start3A_58 = arith.constant 0 : i32
    %dma_start3A_59 = arith.constant 0 : i32
    %dma_start3A_60 = tpu.memref_slice %arg3[%dma_start3A_58, %dma_start3A_59] : memref<1000000x60xf32, #tpu.memory_space<hbm>> -> memref<1000000x60xf32, #tpu.memory_space<hbm>>
    tpu.enqueue_indirect_dma source(%dma_start3A_60 : memref<1000000x60xf32, #tpu.memory_space<hbm>>) target(%dma_start3A_57 : memref<100x60xf32, #tpu.memory_space<vmem>>) offsets(%arg6 : memref<100xi32, #tpu.memory_space<vmem>>) semaphore(%arg12 : memref<!tpu.dma_semaphore, #tpu.memory_space<semaphore_mem>>)
    %dma_wait3A_61 = arith.constant 0 : i32
    %dma_wait3A_62 = tpu.memref_slice %arg2[%mul3A_2, %dma_wait3A_61] : memref<2048x100xi32, #tpu.memory_space<hbm>> -> memref<1x100xi32, #tpu.memory_space<hbm>>
    %dma_wait3A_63 = tpu.memref_squeeze %dma_wait3A_62 : memref<1x100xi32, #tpu.memory_space<hbm>> -> memref<100xi32, #tpu.memory_space<hbm>>
    %dma_wait3A_64 = arith.constant 0 : i32
    %dma_wait3A_65 = tpu.memref_slice %arg2[%mul3A_2, %dma_wait3A_64] : memref<2048x100xi32, #tpu.memory_space<hbm>> -> memref<1x100xi32, #tpu.memory_space<hbm>>
    %dma_wait3A_66 = tpu.memref_squeeze %dma_wait3A_65 : memref<1x100xi32, #tpu.memory_space<hbm>> -> memref<100xi32, #tpu.memory_space<hbm>>
    tpu.wait_dma2 semaphore(%arg17 : memref<!tpu.dma_semaphore, #tpu.memory_space<semaphore_mem>>) src(%dma_wait3A_66 : memref<100xi32, #tpu.memory_space<hbm>>) dst(%arg7 : memref<100xi32, #tpu.memory_space<vmem>>)
    %dma_start3A_67 = arith.constant 2 : i32
    %dma_start3A_68 = arith.constant 0 : i32
    %dma_start3A_69 = arith.constant 0 : i32
    %dma_start3A_70 = tpu.memref_slice %arg9[%dma_start3A_67, %dma_start3A_68, %dma_start3A_69] : memref<4x100x60xf32, #tpu.memory_space<vmem>> -> memref<1x100x60xf32, #tpu.memory_space<vmem>>
    %dma_start3A_71 = tpu.memref_squeeze %dma_start3A_70 : memref<1x100x60xf32, #tpu.memory_space<vmem>> -> memref<100x60xf32, #tpu.memory_space<vmem>>
    %dma_start3A_72 = arith.constant 0 : i32
    %dma_start3A_73 = arith.constant 0 : i32
    %dma_start3A_74 = tpu.memref_slice %arg3[%dma_start3A_72, %dma_start3A_73] : memref<1000000x60xf32, #tpu.memory_space<hbm>> -> memref<1000000x60xf32, #tpu.memory_space<hbm>>
    tpu.enqueue_indirect_dma source(%dma_start3A_74 : memref<1000000x60xf32, #tpu.memory_space<hbm>>) target(%dma_start3A_71 : memref<100x60xf32, #tpu.memory_space<vmem>>) offsets(%arg7 : memref<100xi32, #tpu.memory_space<vmem>>) semaphore(%arg13 : memref<!tpu.dma_semaphore, #tpu.memory_space<semaphore_mem>>)
    %dma_wait3A_75 = arith.constant 0 : i32
    %dma_wait3A_76 = tpu.memref_slice %arg2[%mul3A_2, %dma_wait3A_75] : memref<2048x100xi32, #tpu.memory_space<hbm>> -> memref<1x100xi32, #tpu.memory_space<hbm>>
    %dma_wait3A_77 = tpu.memref_squeeze %dma_wait3A_76 : memref<1x100xi32, #tpu.memory_space<hbm>> -> memref<100xi32, #tpu.memory_space<hbm>>
    %dma_wait3A_78 = arith.constant 0 : i32
    %dma_wait3A_79 = tpu.memref_slice %arg2[%mul3A_2, %dma_wait3A_78] : memref<2048x100xi32, #tpu.memory_space<hbm>> -> memref<1x100xi32, #tpu.memory_space<hbm>>
    %dma_wait3A_80 = tpu.memref_squeeze %dma_wait3A_79 : memref<1x100xi32, #tpu.memory_space<hbm>> -> memref<100xi32, #tpu.memory_space<hbm>>
    tpu.wait_dma2 semaphore(%arg18 : memref<!tpu.dma_semaphore, #tpu.memory_space<semaphore_mem>>) src(%dma_wait3A_80 : memref<100xi32, #tpu.memory_space<hbm>>) dst(%arg8 : memref<100xi32, #tpu.memory_space<vmem>>)
    %dma_start3A_81 = arith.constant 3 : i32
    %dma_start3A_82 = arith.constant 0 : i32
    %dma_start3A_83 = arith.constant 0 : i32
    %dma_start3A_84 = tpu.memref_slice %arg9[%dma_start3A_81, %dma_start3A_82, %dma_start3A_83] : memref<4x100x60xf32, #tpu.memory_space<vmem>> -> memref<1x100x60xf32, #tpu.memory_space<vmem>>
    %dma_start3A_85 = tpu.memref_squeeze %dma_start3A_84 : memref<1x100x60xf32, #tpu.memory_space<vmem>> -> memref<100x60xf32, #tpu.memory_space<vmem>>
    %dma_start3A_86 = arith.constant 0 : i32
    %dma_start3A_87 = arith.constant 0 : i32
    %dma_start3A_88 = tpu.memref_slice %arg3[%dma_start3A_86, %dma_start3A_87] : memref<1000000x60xf32, #tpu.memory_space<hbm>> -> memref<1000000x60xf32, #tpu.memory_space<hbm>>
    tpu.enqueue_indirect_dma source(%dma_start3A_88 : memref<1000000x60xf32, #tpu.memory_space<hbm>>) target(%dma_start3A_85 : memref<100x60xf32, #tpu.memory_space<vmem>>) offsets(%arg8 : memref<100xi32, #tpu.memory_space<vmem>>) semaphore(%arg14 : memref<!tpu.dma_semaphore, #tpu.memory_space<semaphore_mem>>)
    %scan3A = arith.constant 0 : i32
    %scan3A_89 = arith.constant 2.000000e-02 : f32
    %scan3A_90 = arith.constant 0 : i32
    %scan3A_91 = arith.constant 16 : i32
    %scan3A_92 = arith.addi %scan3A_90, %scan3A_91 : i32
    %scan3A_93 = arith.constant 1 : i32
    scf.for %scan3A_97 = %scan3A_90 to %scan3A_92 step %scan3A_93  : i32 {
      %mul3A_98 = arith.constant 4 : i32
      %mul3A_99 = arith.muli %scan3A_97, %mul3A_98 : i32
      %add3A_100 = arith.constant 0 : i32
      %add3A_101 = arith.addi %mul3A_99, %add3A_100 : i32
      %dma_wait3A_102 = arith.constant 0 : i32
      %dma_wait3A_103 = arith.constant 0 : i32
      %dma_wait3A_104 = arith.constant 0 : i32
      %dma_wait3A_105 = tpu.memref_slice %arg9[%dma_wait3A_102, %dma_wait3A_103, %dma_wait3A_104] : memref<4x100x60xf32, #tpu.memory_space<vmem>> -> memref<1x100x60xf32, #tpu.memory_space<vmem>>
      %dma_wait3A_106 = tpu.memref_squeeze %dma_wait3A_105 : memref<1x100x60xf32, #tpu.memory_space<vmem>> -> memref<100x60xf32, #tpu.memory_space<vmem>>
      %dma_wait3A_107 = arith.constant 0 : i32
      %dma_wait3A_108 = arith.constant 0 : i32
      %dma_wait3A_109 = tpu.memref_slice %arg3[%dma_wait3A_107, %dma_wait3A_108] : memref<1000000x60xf32, #tpu.memory_space<hbm>> -> memref<1000000x60xf32, #tpu.memory_space<hbm>>
      tpu.wait_indirect_dma semaphore(%arg11 : memref<!tpu.dma_semaphore, #tpu.memory_space<semaphore_mem>>) src(%dma_wait3A_109 : memref<1000000x60xf32, #tpu.memory_space<hbm>>) dst(%dma_wait3A_106 : memref<100x60xf32, #tpu.memory_space<vmem>>)
      %broadcast_in_dim3A = arith.constant 0.000000e+00 : f32
      %broadcast_in_dim3A_110 = vector.broadcast %broadcast_in_dim3A : f32 to vector<16xf32>
      %scan3A_111 = arith.constant 0 : i32
      %scan3A_112 = arith.constant 50 : i32
      %scan3A_113 = arith.addi %scan3A_111, %scan3A_112 : i32
      %scan3A_114 = arith.constant 1 : i32
      %scan3A_115:4 = scf.for %scan3A_489 = %scan3A_111 to %scan3A_113 step %scan3A_114 iter_args(%scan3A_490 = %broadcast_in_dim3A_110, %scan3A_491 = %broadcast_in_dim3A_110, %scan3A_492 = %broadcast_in_dim3A_110, %scan3A_493 = %broadcast_in_dim3A_110) -> (vector<16xf32>, vector<16xf32>, vector<16xf32>, vector<16xf32>)  : i32 {
        %add3A_494 = arith.constant 0 : i32
        %add3A_495 = arith.addi %add3A_494, %scan3A_489 : i32
        %get3A = arith.constant 0 : i32
        %get3A_496 = arith.index_cast %get3A : i32 to index
        %get3A_497 = arith.index_cast %add3A_495 : i32 to index
        %get3A_498 = arith.constant 0 : index
        %get3A_499 = tpu.vector_load %arg9[%get3A_496, %get3A_497, %get3A_498] {strides = array<i32>} : memref<4x100x60xf32, #tpu.memory_space<vmem>>, vector<1x1x16xf32>,
        %get3A_500 = vector.shape_cast %get3A_499 : vector<1x1x16xf32> to vector<16xf32>
        %add3A_501 = arith.addf %scan3A_490, %get3A_500 : vector<16xf32>
        %add3A_502 = arith.constant 0 : i32
        %add3A_503 = arith.addi %add3A_502, %scan3A_489 : i32
        %get3A_504 = arith.constant 0 : i32
        %get3A_505 = arith.index_cast %get3A_504 : i32 to index
        %get3A_506 = arith.index_cast %add3A_503 : i32 to index
        %get3A_507 = arith.constant 16 : index
        %get3A_508 = tpu.vector_load %arg9[%get3A_505, %get3A_506, %get3A_507] {strides = array<i32>} : memref<4x100x60xf32, #tpu.memory_space<vmem>>, vector<1x1x16xf32>,
        %get3A_509 = vector.shape_cast %get3A_508 : vector<1x1x16xf32> to vector<16xf32>
        %add3A_510 = arith.addf %scan3A_491, %get3A_509 : vector<16xf32>
        %add3A_511 = arith.constant 0 : i32
        %add3A_512 = arith.addi %add3A_511, %scan3A_489 : i32
        %get3A_513 = arith.constant 0 : i32
        %get3A_514 = arith.index_cast %get3A_513 : i32 to index
        %get3A_515 = arith.index_cast %add3A_512 : i32 to index
        %get3A_516 = arith.constant 32 : index
        %get3A_517 = tpu.vector_load %arg9[%get3A_514, %get3A_515, %get3A_516] {strides = array<i32>} : memref<4x100x60xf32, #tpu.memory_space<vmem>>, vector<1x1x16xf32>,
        %get3A_518 = vector.shape_cast %get3A_517 : vector<1x1x16xf32> to vector<16xf32>
        %add3A_519 = arith.addf %scan3A_492, %get3A_518 : vector<16xf32>
        %add3A_520 = arith.constant 0 : i32
        %add3A_521 = arith.addi %add3A_520, %scan3A_489 : i32
        %get3A_522 = arith.constant 0 : i32
        %get3A_523 = arith.index_cast %get3A_522 : i32 to index
        %get3A_524 = arith.index_cast %add3A_521 : i32 to index
        %get3A_525 = arith.constant 44 : index
        %get3A_526 = tpu.vector_load %arg9[%get3A_523, %get3A_524, %get3A_525] {strides = array<i32>} : memref<4x100x60xf32, #tpu.memory_space<vmem>>, vector<1x1x16xf32>,
        %get3A_527 = vector.shape_cast %get3A_526 : vector<1x1x16xf32> to vector<16xf32>
        %add3A_528 = arith.addf %scan3A_493, %get3A_527 : vector<16xf32>
        scf.yield %add3A_501, %add3A_510, %add3A_519, %add3A_528 : vector<16xf32>, vector<16xf32>, vector<16xf32>, vector<16xf32>
      }
      %scan3A_116 = arith.constant 50 : i32
      %mul3A_117 = arith.constant 2 : i32
      %mul3A_118 = arith.muli %add3A_101, %mul3A_117 : i32
      %add3A_119 = arith.constant 0 : i32
      %add3A_120 = arith.addi %mul3A_118, %add3A_119 : i32
      %mul3A_121 = vector.broadcast %scan3A_89 : f32 to vector<16xf32>
      %mul3A_122 = arith.mulf %scan3A_115#0, %mul3A_121 : vector<16xf32>
      %swap3A = arith.index_cast %add3A_120 : i32 to index
      %swap3A_123 = arith.constant 0 : index
      %swap3A_124 = tpu.vector_load %arg10[%swap3A, %swap3A_123] {strides = array<i32>} : memref<128x60xf32, #tpu.memory_space<vmem>>, vector<1x16xf32>,
      %swap3A_125 = vector.shape_cast %swap3A_124 : vector<1x16xf32> to vector<16xf32>
      %swap3A_126 = vector.shape_cast %mul3A_122 : vector<16xf32> to vector<1x16xf32>
      tpu.vector_store %arg10[%swap3A, %swap3A_123], %swap3A_126 {strides = array<i32>} : memref<128x60xf32, #tpu.memory_space<vmem>>, vector<1x16xf32>,
      %mul3A_127 = vector.broadcast %scan3A_89 : f32 to vector<16xf32>
      %mul3A_128 = arith.mulf %scan3A_115#1, %mul3A_127 : vector<16xf32>
      %swap3A_129 = arith.index_cast %add3A_120 : i32 to index
      %swap3A_130 = arith.constant 16 : index
      %swap3A_131 = tpu.vector_load %arg10[%swap3A_129, %swap3A_130] {strides = array<i32>} : memref<128x60xf32, #tpu.memory_space<vmem>>, vector<1x16xf32>,
      %swap3A_132 = vector.shape_cast %swap3A_131 : vector<1x16xf32> to vector<16xf32>
      %swap3A_133 = vector.shape_cast %mul3A_128 : vector<16xf32> to vector<1x16xf32>
      tpu.vector_store %arg10[%swap3A_129, %swap3A_130], %swap3A_133 {strides = array<i32>} : memref<128x60xf32, #tpu.memory_space<vmem>>, vector<1x16xf32>,
      %mul3A_134 = vector.broadcast %scan3A_89 : f32 to vector<16xf32>
      %mul3A_135 = arith.mulf %scan3A_115#2, %mul3A_134 : vector<16xf32>
      %swap3A_136 = arith.index_cast %add3A_120 : i32 to index
      %swap3A_137 = arith.constant 32 : index
      %swap3A_138 = tpu.vector_load %arg10[%swap3A_136, %swap3A_137] {strides = array<i32>} : memref<128x60xf32, #tpu.memory_space<vmem>>, vector<1x16xf32>,
      %swap3A_139 = vector.shape_cast %swap3A_138 : vector<1x16xf32> to vector<16xf32>
      %swap3A_140 = vector.shape_cast %mul3A_135 : vector<16xf32> to vector<1x16xf32>
      tpu.vector_store %arg10[%swap3A_136, %swap3A_137], %swap3A_140 {strides = array<i32>} : memref<128x60xf32, #tpu.memory_space<vmem>>, vector<1x16xf32>,
      %mul3A_141 = vector.broadcast %scan3A_89 : f32 to vector<16xf32>
      %mul3A_142 = arith.mulf %scan3A_115#3, %mul3A_141 : vector<16xf32>
      %swap3A_143 = arith.index_cast %add3A_120 : i32 to index
      %swap3A_144 = arith.constant 44 : index
      %swap3A_145 = tpu.vector_load %arg10[%swap3A_143, %swap3A_144] {strides = array<i32>} : memref<128x60xf32, #tpu.memory_space<vmem>>, vector<1x16xf32>,
      %swap3A_146 = vector.shape_cast %swap3A_145 : vector<1x16xf32> to vector<16xf32>
      %swap3A_147 = vector.shape_cast %mul3A_142 : vector<16xf32> to vector<1x16xf32>
      tpu.vector_store %arg10[%swap3A_143, %swap3A_144], %swap3A_147 {strides = array<i32>} : memref<128x60xf32, #tpu.memory_space<vmem>>, vector<1x16xf32>,
      %broadcast_in_dim3A_148 = arith.constant 0.000000e+00 : f32
      %broadcast_in_dim3A_149 = vector.broadcast %broadcast_in_dim3A_148 : f32 to vector<16xf32>
      %scan3A_150 = arith.constant 0 : i32
      %scan3A_151 = arith.constant 50 : i32
      %scan3A_152 = arith.addi %scan3A_150, %scan3A_151 : i32
      %scan3A_153 = arith.constant 1 : i32
      %scan3A_154:4 = scf.for %scan3A_489 = %scan3A_150 to %scan3A_152 step %scan3A_153 iter_args(%scan3A_490 = %broadcast_in_dim3A_149, %scan3A_491 = %broadcast_in_dim3A_149, %scan3A_492 = %broadcast_in_dim3A_149, %scan3A_493 = %broadcast_in_dim3A_149) -> (vector<16xf32>, vector<16xf32>, vector<16xf32>, vector<16xf32>)  : i32 {
        %add3A_494 = arith.constant 50 : i32
        %add3A_495 = arith.addi %add3A_494, %scan3A_489 : i32
        %get3A = arith.constant 0 : i32
        %get3A_496 = arith.index_cast %get3A : i32 to index
        %get3A_497 = arith.index_cast %add3A_495 : i32 to index
        %get3A_498 = arith.constant 0 : index
        %get3A_499 = tpu.vector_load %arg9[%get3A_496, %get3A_497, %get3A_498] {strides = array<i32>} : memref<4x100x60xf32, #tpu.memory_space<vmem>>, vector<1x1x16xf32>,
        %get3A_500 = vector.shape_cast %get3A_499 : vector<1x1x16xf32> to vector<16xf32>
        %add3A_501 = arith.addf %scan3A_490, %get3A_500 : vector<16xf32>
        %add3A_502 = arith.constant 50 : i32
        %add3A_503 = arith.addi %add3A_502, %scan3A_489 : i32
        %get3A_504 = arith.constant 0 : i32
        %get3A_505 = arith.index_cast %get3A_504 : i32 to index
        %get3A_506 = arith.index_cast %add3A_503 : i32 to index
        %get3A_507 = arith.constant 16 : index
        %get3A_508 = tpu.vector_load %arg9[%get3A_505, %get3A_506, %get3A_507] {strides = array<i32>} : memref<4x100x60xf32, #tpu.memory_space<vmem>>, vector<1x1x16xf32>,
        %get3A_509 = vector.shape_cast %get3A_508 : vector<1x1x16xf32> to vector<16xf32>
        %add3A_510 = arith.addf %scan3A_491, %get3A_509 : vector<16xf32>
        %add3A_511 = arith.constant 50 : i32
        %add3A_512 = arith.addi %add3A_511, %scan3A_489 : i32
        %get3A_513 = arith.constant 0 : i32
        %get3A_514 = arith.index_cast %get3A_513 : i32 to index
        %get3A_515 = arith.index_cast %add3A_512 : i32 to index
        %get3A_516 = arith.constant 32 : index
        %get3A_517 = tpu.vector_load %arg9[%get3A_514, %get3A_515, %get3A_516] {strides = array<i32>} : memref<4x100x60xf32, #tpu.memory_space<vmem>>, vector<1x1x16xf32>,
        %get3A_518 = vector.shape_cast %get3A_517 : vector<1x1x16xf32> to vector<16xf32>
        %add3A_519 = arith.addf %scan3A_492, %get3A_518 : vector<16xf32>
        %add3A_520 = arith.constant 50 : i32
        %add3A_521 = arith.addi %add3A_520, %scan3A_489 : i32
        %get3A_522 = arith.constant 0 : i32
        %get3A_523 = arith.index_cast %get3A_522 : i32 to index
        %get3A_524 = arith.index_cast %add3A_521 : i32 to index
        %get3A_525 = arith.constant 44 : index
        %get3A_526 = tpu.vector_load %arg9[%get3A_523, %get3A_524, %get3A_525] {strides = array<i32>} : memref<4x100x60xf32, #tpu.memory_space<vmem>>, vector<1x1x16xf32>,
        %get3A_527 = vector.shape_cast %get3A_526 : vector<1x1x16xf32> to vector<16xf32>
        %add3A_528 = arith.addf %scan3A_493, %get3A_527 : vector<16xf32>
        scf.yield %add3A_501, %add3A_510, %add3A_519, %add3A_528 : vector<16xf32>, vector<16xf32>, vector<16xf32>, vector<16xf32>
      }
      %scan3A_155 = arith.constant 50 : i32
      %mul3A_156 = arith.constant 2 : i32
      %mul3A_157 = arith.muli %add3A_101, %mul3A_156 : i32
      %add3A_158 = arith.constant 1 : i32
      %add3A_159 = arith.addi %mul3A_157, %add3A_158 : i32
      %mul3A_160 = vector.broadcast %scan3A_89 : f32 to vector<16xf32>
      %mul3A_161 = arith.mulf %scan3A_154#0, %mul3A_160 : vector<16xf32>
      %swap3A_162 = arith.index_cast %add3A_159 : i32 to index
      %swap3A_163 = arith.constant 0 : index
      %swap3A_164 = tpu.vector_load %arg10[%swap3A_162, %swap3A_163] {strides = array<i32>} : memref<128x60xf32, #tpu.memory_space<vmem>>, vector<1x16xf32>,
      %swap3A_165 = vector.shape_cast %swap3A_164 : vector<1x16xf32> to vector<16xf32>
      %swap3A_166 = vector.shape_cast %mul3A_161 : vector<16xf32> to vector<1x16xf32>
      tpu.vector_store %arg10[%swap3A_162, %swap3A_163], %swap3A_166 {strides = array<i32>} : memref<128x60xf32, #tpu.memory_space<vmem>>, vector<1x16xf32>,
      %mul3A_167 = vector.broadcast %scan3A_89 : f32 to vector<16xf32>
      %mul3A_168 = arith.mulf %scan3A_154#1, %mul3A_167 : vector<16xf32>
      %swap3A_169 = arith.index_cast %add3A_159 : i32 to index
      %swap3A_170 = arith.constant 16 : index
      %swap3A_171 = tpu.vector_load %arg10[%swap3A_169, %swap3A_170] {strides = array<i32>} : memref<128x60xf32, #tpu.memory_space<vmem>>, vector<1x16xf32>,
      %swap3A_172 = vector.shape_cast %swap3A_171 : vector<1x16xf32> to vector<16xf32>
      %swap3A_173 = vector.shape_cast %mul3A_168 : vector<16xf32> to vector<1x16xf32>
      tpu.vector_store %arg10[%swap3A_169, %swap3A_170], %swap3A_173 {strides = array<i32>} : memref<128x60xf32, #tpu.memory_space<vmem>>, vector<1x16xf32>,
      %mul3A_174 = vector.broadcast %scan3A_89 : f32 to vector<16xf32>
      %mul3A_175 = arith.mulf %scan3A_154#2, %mul3A_174 : vector<16xf32>
      %swap3A_176 = arith.index_cast %add3A_159 : i32 to index
      %swap3A_177 = arith.constant 32 : index
      %swap3A_178 = tpu.vector_load %arg10[%swap3A_176, %swap3A_177] {strides = array<i32>} : memref<128x60xf32, #tpu.memory_space<vmem>>, vector<1x16xf32>,
      %swap3A_179 = vector.shape_cast %swap3A_178 : vector<1x16xf32> to vector<16xf32>
      %swap3A_180 = vector.shape_cast %mul3A_175 : vector<16xf32> to vector<1x16xf32>
      tpu.vector_store %arg10[%swap3A_176, %swap3A_177], %swap3A_180 {strides = array<i32>} : memref<128x60xf32, #tpu.memory_space<vmem>>, vector<1x16xf32>,
      %mul3A_181 = vector.broadcast %scan3A_89 : f32 to vector<16xf32>
      %mul3A_182 = arith.mulf %scan3A_154#3, %mul3A_181 : vector<16xf32>
      %swap3A_183 = arith.index_cast %add3A_159 : i32 to index
      %swap3A_184 = arith.constant 44 : index
      %swap3A_185 = tpu.vector_load %arg10[%swap3A_183, %swap3A_184] {strides = array<i32>} : memref<128x60xf32, #tpu.memory_space<vmem>>, vector<1x16xf32>,
      %swap3A_186 = vector.shape_cast %swap3A_185 : vector<1x16xf32> to vector<16xf32>
      %swap3A_187 = vector.shape_cast %mul3A_182 : vector<16xf32> to vector<1x16xf32>
      tpu.vector_store %arg10[%swap3A_183, %swap3A_184], %swap3A_187 {strides = array<i32>} : memref<128x60xf32, #tpu.memory_space<vmem>>, vector<1x16xf32>,
      %add3A_188 = arith.constant 4 : i32
      %add3A_189 = arith.addi %add3A_101, %add3A_188 : i32
      %lt3A = arith.constant 64 : i32
      %lt3A_190 = arith.cmpi slt, %add3A_189, %lt3A : i32
      %convert_element_type3A = arith.extui %lt3A_190 : i1 to i32
      %cond3A = arith.constant 0 : i32
      %cond3A_191 = arith.cmpi ne, %convert_element_type3A, %cond3A : i32
      scf.if %cond3A_191 {
        %add3A_489 = arith.addi %mul3A_2, %add3A_189 : i32
        %dma_start3A_490 = arith.constant 0 : i32
        %dma_start3A_491 = tpu.memref_slice %arg2[%add3A_489, %dma_start3A_490] : memref<2048x100xi32, #tpu.memory_space<hbm>> -> memref<1x100xi32, #tpu.memory_space<hbm>>
        %dma_start3A_492 = tpu.memref_squeeze %dma_start3A_491 : memref<1x100xi32, #tpu.memory_space<hbm>> -> memref<100xi32, #tpu.memory_space<hbm>>
        %dma_start3A_493 = arith.constant 0 : i32
        %dma_start3A_494 = tpu.memref_slice %arg2[%add3A_489, %dma_start3A_493] : memref<2048x100xi32, #tpu.memory_space<hbm>> -> memref<1x100xi32, #tpu.memory_space<hbm>>
        %dma_start3A_495 = tpu.memref_squeeze %dma_start3A_494 : memref<1x100xi32, #tpu.memory_space<hbm>> -> memref<100xi32, #tpu.memory_space<hbm>>
        tpu.enqueue_dma source(%dma_start3A_495 : memref<100xi32, #tpu.memory_space<hbm>>) target(%arg5 : memref<100xi32, #tpu.memory_space<vmem>>) target_semaphore(%arg15 : memref<!tpu.dma_semaphore, #tpu.memory_space<semaphore_mem>>)
        %dma_wait3A_496 = arith.constant 0 : i32
        %dma_wait3A_497 = tpu.memref_slice %arg2[%mul3A_2, %dma_wait3A_496] : memref<2048x100xi32, #tpu.memory_space<hbm>> -> memref<1x100xi32, #tpu.memory_space<hbm>>
        %dma_wait3A_498 = tpu.memref_squeeze %dma_wait3A_497 : memref<1x100xi32, #tpu.memory_space<hbm>> -> memref<100xi32, #tpu.memory_space<hbm>>
        %dma_wait3A_499 = arith.constant 0 : i32
        %dma_wait3A_500 = tpu.memref_slice %arg2[%mul3A_2, %dma_wait3A_499] : memref<2048x100xi32, #tpu.memory_space<hbm>> -> memref<1x100xi32, #tpu.memory_space<hbm>>
        %dma_wait3A_501 = tpu.memref_squeeze %dma_wait3A_500 : memref<1x100xi32, #tpu.memory_space<hbm>> -> memref<100xi32, #tpu.memory_space<hbm>>
        tpu.wait_dma2 semaphore(%arg15 : memref<!tpu.dma_semaphore, #tpu.memory_space<semaphore_mem>>) src(%dma_wait3A_501 : memref<100xi32, #tpu.memory_space<hbm>>) dst(%arg5 : memref<100xi32, #tpu.memory_space<vmem>>)
        %dma_start3A_502 = arith.constant 0 : i32
        %dma_start3A_503 = arith.constant 0 : i32
        %dma_start3A_504 = arith.constant 0 : i32
        %dma_start3A_505 = tpu.memref_slice %arg9[%dma_start3A_502, %dma_start3A_503, %dma_start3A_504] : memref<4x100x60xf32, #tpu.memory_space<vmem>> -> memref<1x100x60xf32, #tpu.memory_space<vmem>>
        %dma_start3A_506 = tpu.memref_squeeze %dma_start3A_505 : memref<1x100x60xf32, #tpu.memory_space<vmem>> -> memref<100x60xf32, #tpu.memory_space<vmem>>
        %dma_start3A_507 = arith.constant 0 : i32
        %dma_start3A_508 = arith.constant 0 : i32
        %dma_start3A_509 = tpu.memref_slice %arg3[%dma_start3A_507, %dma_start3A_508] : memref<1000000x60xf32, #tpu.memory_space<hbm>> -> memref<1000000x60xf32, #tpu.memory_space<hbm>>
        tpu.enqueue_indirect_dma source(%dma_start3A_509 : memref<1000000x60xf32, #tpu.memory_space<hbm>>) target(%dma_start3A_506 : memref<100x60xf32, #tpu.memory_space<vmem>>) offsets(%arg5 : memref<100xi32, #tpu.memory_space<vmem>>) semaphore(%arg11 : memref<!tpu.dma_semaphore, #tpu.memory_space<semaphore_mem>>)
      } else {
      }
      %mul3A_192 = arith.constant 4 : i32
      %mul3A_193 = arith.muli %scan3A_97, %mul3A_192 : i32
      %add3A_194 = arith.constant 1 : i32
      %add3A_195 = arith.addi %mul3A_193, %add3A_194 : i32
      %dma_wait3A_196 = arith.constant 1 : i32
      %dma_wait3A_197 = arith.constant 0 : i32
      %dma_wait3A_198 = arith.constant 0 : i32
      %dma_wait3A_199 = tpu.memref_slice %arg9[%dma_wait3A_196, %dma_wait3A_197, %dma_wait3A_198] : memref<4x100x60xf32, #tpu.memory_space<vmem>> -> memref<1x100x60xf32, #tpu.memory_space<vmem>>
      %dma_wait3A_200 = tpu.memref_squeeze %dma_wait3A_199 : memref<1x100x60xf32, #tpu.memory_space<vmem>> -> memref<100x60xf32, #tpu.memory_space<vmem>>
      %dma_wait3A_201 = arith.constant 0 : i32
      %dma_wait3A_202 = arith.constant 0 : i32
      %dma_wait3A_203 = tpu.memref_slice %arg3[%dma_wait3A_201, %dma_wait3A_202] : memref<1000000x60xf32, #tpu.memory_space<hbm>> -> memref<1000000x60xf32, #tpu.memory_space<hbm>>
      tpu.wait_indirect_dma semaphore(%arg12 : memref<!tpu.dma_semaphore, #tpu.memory_space<semaphore_mem>>) src(%dma_wait3A_203 : memref<1000000x60xf32, #tpu.memory_space<hbm>>) dst(%dma_wait3A_200 : memref<100x60xf32, #tpu.memory_space<vmem>>)
      %broadcast_in_dim3A_204 = arith.constant 0.000000e+00 : f32
      %broadcast_in_dim3A_205 = vector.broadcast %broadcast_in_dim3A_204 : f32 to vector<16xf32>
      %scan3A_206 = arith.constant 0 : i32
      %scan3A_207 = arith.constant 50 : i32
      %scan3A_208 = arith.addi %scan3A_206, %scan3A_207 : i32
      %scan3A_209 = arith.constant 1 : i32
      %scan3A_210:4 = scf.for %scan3A_489 = %scan3A_206 to %scan3A_208 step %scan3A_209 iter_args(%scan3A_490 = %broadcast_in_dim3A_205, %scan3A_491 = %broadcast_in_dim3A_205, %scan3A_492 = %broadcast_in_dim3A_205, %scan3A_493 = %broadcast_in_dim3A_205) -> (vector<16xf32>, vector<16xf32>, vector<16xf32>, vector<16xf32>)  : i32 {
        %add3A_494 = arith.constant 0 : i32
        %add3A_495 = arith.addi %add3A_494, %scan3A_489 : i32
        %get3A = arith.constant 1 : i32
        %get3A_496 = arith.index_cast %get3A : i32 to index
        %get3A_497 = arith.index_cast %add3A_495 : i32 to index
        %get3A_498 = arith.constant 0 : index
        %get3A_499 = tpu.vector_load %arg9[%get3A_496, %get3A_497, %get3A_498] {strides = array<i32>} : memref<4x100x60xf32, #tpu.memory_space<vmem>>, vector<1x1x16xf32>,
        %get3A_500 = vector.shape_cast %get3A_499 : vector<1x1x16xf32> to vector<16xf32>
        %add3A_501 = arith.addf %scan3A_490, %get3A_500 : vector<16xf32>
        %add3A_502 = arith.constant 0 : i32
        %add3A_503 = arith.addi %add3A_502, %scan3A_489 : i32
        %get3A_504 = arith.constant 1 : i32
        %get3A_505 = arith.index_cast %get3A_504 : i32 to index
        %get3A_506 = arith.index_cast %add3A_503 : i32 to index
        %get3A_507 = arith.constant 16 : index
        %get3A_508 = tpu.vector_load %arg9[%get3A_505, %get3A_506, %get3A_507] {strides = array<i32>} : memref<4x100x60xf32, #tpu.memory_space<vmem>>, vector<1x1x16xf32>,
        %get3A_509 = vector.shape_cast %get3A_508 : vector<1x1x16xf32> to vector<16xf32>
        %add3A_510 = arith.addf %scan3A_491, %get3A_509 : vector<16xf32>
        %add3A_511 = arith.constant 0 : i32
        %add3A_512 = arith.addi %add3A_511, %scan3A_489 : i32
        %get3A_513 = arith.constant 1 : i32
        %get3A_514 = arith.index_cast %get3A_513 : i32 to index
        %get3A_515 = arith.index_cast %add3A_512 : i32 to index
        %get3A_516 = arith.constant 32 : index
        %get3A_517 = tpu.vector_load %arg9[%get3A_514, %get3A_515, %get3A_516] {strides = array<i32>} : memref<4x100x60xf32, #tpu.memory_space<vmem>>, vector<1x1x16xf32>,
        %get3A_518 = vector.shape_cast %get3A_517 : vector<1x1x16xf32> to vector<16xf32>
        %add3A_519 = arith.addf %scan3A_492, %get3A_518 : vector<16xf32>
        %add3A_520 = arith.constant 0 : i32
        %add3A_521 = arith.addi %add3A_520, %scan3A_489 : i32
        %get3A_522 = arith.constant 1 : i32
        %get3A_523 = arith.index_cast %get3A_522 : i32 to index
        %get3A_524 = arith.index_cast %add3A_521 : i32 to index
        %get3A_525 = arith.constant 44 : index
        %get3A_526 = tpu.vector_load %arg9[%get3A_523, %get3A_524, %get3A_525] {strides = array<i32>} : memref<4x100x60xf32, #tpu.memory_space<vmem>>, vector<1x1x16xf32>,
        %get3A_527 = vector.shape_cast %get3A_526 : vector<1x1x16xf32> to vector<16xf32>
        %add3A_528 = arith.addf %scan3A_493, %get3A_527 : vector<16xf32>
        scf.yield %add3A_501, %add3A_510, %add3A_519, %add3A_528 : vector<16xf32>, vector<16xf32>, vector<16xf32>, vector<16xf32>
      }
      %scan3A_211 = arith.constant 50 : i32
      %mul3A_212 = arith.constant 2 : i32
      %mul3A_213 = arith.muli %add3A_195, %mul3A_212 : i32
      %add3A_214 = arith.constant 0 : i32
      %add3A_215 = arith.addi %mul3A_213, %add3A_214 : i32
      %mul3A_216 = vector.broadcast %scan3A_89 : f32 to vector<16xf32>
      %mul3A_217 = arith.mulf %scan3A_210#0, %mul3A_216 : vector<16xf32>
      %swap3A_218 = arith.index_cast %add3A_215 : i32 to index
      %swap3A_219 = arith.constant 0 : index
      %swap3A_220 = tpu.vector_load %arg10[%swap3A_218, %swap3A_219] {strides = array<i32>} : memref<128x60xf32, #tpu.memory_space<vmem>>, vector<1x16xf32>,
      %swap3A_221 = vector.shape_cast %swap3A_220 : vector<1x16xf32> to vector<16xf32>
      %swap3A_222 = vector.shape_cast %mul3A_217 : vector<16xf32> to vector<1x16xf32>
      tpu.vector_store %arg10[%swap3A_218, %swap3A_219], %swap3A_222 {strides = array<i32>} : memref<128x60xf32, #tpu.memory_space<vmem>>, vector<1x16xf32>,
      %mul3A_223 = vector.broadcast %scan3A_89 : f32 to vector<16xf32>
      %mul3A_224 = arith.mulf %scan3A_210#1, %mul3A_223 : vector<16xf32>
      %swap3A_225 = arith.index_cast %add3A_215 : i32 to index
      %swap3A_226 = arith.constant 16 : index
      %swap3A_227 = tpu.vector_load %arg10[%swap3A_225, %swap3A_226] {strides = array<i32>} : memref<128x60xf32, #tpu.memory_space<vmem>>, vector<1x16xf32>,
      %swap3A_228 = vector.shape_cast %swap3A_227 : vector<1x16xf32> to vector<16xf32>
      %swap3A_229 = vector.shape_cast %mul3A_224 : vector<16xf32> to vector<1x16xf32>
      tpu.vector_store %arg10[%swap3A_225, %swap3A_226], %swap3A_229 {strides = array<i32>} : memref<128x60xf32, #tpu.memory_space<vmem>>, vector<1x16xf32>,
      %mul3A_230 = vector.broadcast %scan3A_89 : f32 to vector<16xf32>
      %mul3A_231 = arith.mulf %scan3A_210#2, %mul3A_230 : vector<16xf32>
      %swap3A_232 = arith.index_cast %add3A_215 : i32 to index
      %swap3A_233 = arith.constant 32 : index
      %swap3A_234 = tpu.vector_load %arg10[%swap3A_232, %swap3A_233] {strides = array<i32>} : memref<128x60xf32, #tpu.memory_space<vmem>>, vector<1x16xf32>,
      %swap3A_235 = vector.shape_cast %swap3A_234 : vector<1x16xf32> to vector<16xf32>
      %swap3A_236 = vector.shape_cast %mul3A_231 : vector<16xf32> to vector<1x16xf32>
      tpu.vector_store %arg10[%swap3A_232, %swap3A_233], %swap3A_236 {strides = array<i32>} : memref<128x60xf32, #tpu.memory_space<vmem>>, vector<1x16xf32>,
      %mul3A_237 = vector.broadcast %scan3A_89 : f32 to vector<16xf32>
      %mul3A_238 = arith.mulf %scan3A_210#3, %mul3A_237 : vector<16xf32>
      %swap3A_239 = arith.index_cast %add3A_215 : i32 to index
      %swap3A_240 = arith.constant 44 : index
      %swap3A_241 = tpu.vector_load %arg10[%swap3A_239, %swap3A_240] {strides = array<i32>} : memref<128x60xf32, #tpu.memory_space<vmem>>, vector<1x16xf32>,
      %swap3A_242 = vector.shape_cast %swap3A_241 : vector<1x16xf32> to vector<16xf32>
      %swap3A_243 = vector.shape_cast %mul3A_238 : vector<16xf32> to vector<1x16xf32>
      tpu.vector_store %arg10[%swap3A_239, %swap3A_240], %swap3A_243 {strides = array<i32>} : memref<128x60xf32, #tpu.memory_space<vmem>>, vector<1x16xf32>,
      %broadcast_in_dim3A_244 = arith.constant 0.000000e+00 : f32
      %broadcast_in_dim3A_245 = vector.broadcast %broadcast_in_dim3A_244 : f32 to vector<16xf32>
      %scan3A_246 = arith.constant 0 : i32
      %scan3A_247 = arith.constant 50 : i32
      %scan3A_248 = arith.addi %scan3A_246, %scan3A_247 : i32
      %scan3A_249 = arith.constant 1 : i32
      %scan3A_250:4 = scf.for %scan3A_489 = %scan3A_246 to %scan3A_248 step %scan3A_249 iter_args(%scan3A_490 = %broadcast_in_dim3A_245, %scan3A_491 = %broadcast_in_dim3A_245, %scan3A_492 = %broadcast_in_dim3A_245, %scan3A_493 = %broadcast_in_dim3A_245) -> (vector<16xf32>, vector<16xf32>, vector<16xf32>, vector<16xf32>)  : i32 {
        %add3A_494 = arith.constant 50 : i32
        %add3A_495 = arith.addi %add3A_494, %scan3A_489 : i32
        %get3A = arith.constant 1 : i32
        %get3A_496 = arith.index_cast %get3A : i32 to index
        %get3A_497 = arith.index_cast %add3A_495 : i32 to index
        %get3A_498 = arith.constant 0 : index
        %get3A_499 = tpu.vector_load %arg9[%get3A_496, %get3A_497, %get3A_498] {strides = array<i32>} : memref<4x100x60xf32, #tpu.memory_space<vmem>>, vector<1x1x16xf32>,
        %get3A_500 = vector.shape_cast %get3A_499 : vector<1x1x16xf32> to vector<16xf32>
        %add3A_501 = arith.addf %scan3A_490, %get3A_500 : vector<16xf32>
        %add3A_502 = arith.constant 50 : i32
        %add3A_503 = arith.addi %add3A_502, %scan3A_489 : i32
        %get3A_504 = arith.constant 1 : i32
        %get3A_505 = arith.index_cast %get3A_504 : i32 to index
        %get3A_506 = arith.index_cast %add3A_503 : i32 to index
        %get3A_507 = arith.constant 16 : index
        %get3A_508 = tpu.vector_load %arg9[%get3A_505, %get3A_506, %get3A_507] {strides = array<i32>} : memref<4x100x60xf32, #tpu.memory_space<vmem>>, vector<1x1x16xf32>,
        %get3A_509 = vector.shape_cast %get3A_508 : vector<1x1x16xf32> to vector<16xf32>
        %add3A_510 = arith.addf %scan3A_491, %get3A_509 : vector<16xf32>
        %add3A_511 = arith.constant 50 : i32
        %add3A_512 = arith.addi %add3A_511, %scan3A_489 : i32
        %get3A_513 = arith.constant 1 : i32
        %get3A_514 = arith.index_cast %get3A_513 : i32 to index
        %get3A_515 = arith.index_cast %add3A_512 : i32 to index
        %get3A_516 = arith.constant 32 : index
        %get3A_517 = tpu.vector_load %arg9[%get3A_514, %get3A_515, %get3A_516] {strides = array<i32>} : memref<4x100x60xf32, #tpu.memory_space<vmem>>, vector<1x1x16xf32>,
        %get3A_518 = vector.shape_cast %get3A_517 : vector<1x1x16xf32> to vector<16xf32>
        %add3A_519 = arith.addf %scan3A_492, %get3A_518 : vector<16xf32>
        %add3A_520 = arith.constant 50 : i32
        %add3A_521 = arith.addi %add3A_520, %scan3A_489 : i32
        %get3A_522 = arith.constant 1 : i32
        %get3A_523 = arith.index_cast %get3A_522 : i32 to index
        %get3A_524 = arith.index_cast %add3A_521 : i32 to index
        %get3A_525 = arith.constant 44 : index
        %get3A_526 = tpu.vector_load %arg9[%get3A_523, %get3A_524, %get3A_525] {strides = array<i32>} : memref<4x100x60xf32, #tpu.memory_space<vmem>>, vector<1x1x16xf32>,
        %get3A_527 = vector.shape_cast %get3A_526 : vector<1x1x16xf32> to vector<16xf32>
        %add3A_528 = arith.addf %scan3A_493, %get3A_527 : vector<16xf32>
        scf.yield %add3A_501, %add3A_510, %add3A_519, %add3A_528 : vector<16xf32>, vector<16xf32>, vector<16xf32>, vector<16xf32>
      }
      %scan3A_251 = arith.constant 50 : i32
      %mul3A_252 = arith.constant 2 : i32
      %mul3A_253 = arith.muli %add3A_195, %mul3A_252 : i32
      %add3A_254 = arith.constant 1 : i32
      %add3A_255 = arith.addi %mul3A_253, %add3A_254 : i32
      %mul3A_256 = vector.broadcast %scan3A_89 : f32 to vector<16xf32>
      %mul3A_257 = arith.mulf %scan3A_250#0, %mul3A_256 : vector<16xf32>
      %swap3A_258 = arith.index_cast %add3A_255 : i32 to index
      %swap3A_259 = arith.constant 0 : index
      %swap3A_260 = tpu.vector_load %arg10[%swap3A_258, %swap3A_259] {strides = array<i32>} : memref<128x60xf32, #tpu.memory_space<vmem>>, vector<1x16xf32>,
      %swap3A_261 = vector.shape_cast %swap3A_260 : vector<1x16xf32> to vector<16xf32>
      %swap3A_262 = vector.shape_cast %mul3A_257 : vector<16xf32> to vector<1x16xf32>
      tpu.vector_store %arg10[%swap3A_258, %swap3A_259], %swap3A_262 {strides = array<i32>} : memref<128x60xf32, #tpu.memory_space<vmem>>, vector<1x16xf32>,
      %mul3A_263 = vector.broadcast %scan3A_89 : f32 to vector<16xf32>
      %mul3A_264 = arith.mulf %scan3A_250#1, %mul3A_263 : vector<16xf32>
      %swap3A_265 = arith.index_cast %add3A_255 : i32 to index
      %swap3A_266 = arith.constant 16 : index
      %swap3A_267 = tpu.vector_load %arg10[%swap3A_265, %swap3A_266] {strides = array<i32>} : memref<128x60xf32, #tpu.memory_space<vmem>>, vector<1x16xf32>,
      %swap3A_268 = vector.shape_cast %swap3A_267 : vector<1x16xf32> to vector<16xf32>
      %swap3A_269 = vector.shape_cast %mul3A_264 : vector<16xf32> to vector<1x16xf32>
      tpu.vector_store %arg10[%swap3A_265, %swap3A_266], %swap3A_269 {strides = array<i32>} : memref<128x60xf32, #tpu.memory_space<vmem>>, vector<1x16xf32>,
      %mul3A_270 = vector.broadcast %scan3A_89 : f32 to vector<16xf32>
      %mul3A_271 = arith.mulf %scan3A_250#2, %mul3A_270 : vector<16xf32>
      %swap3A_272 = arith.index_cast %add3A_255 : i32 to index
      %swap3A_273 = arith.constant 32 : index
      %swap3A_274 = tpu.vector_load %arg10[%swap3A_272, %swap3A_273] {strides = array<i32>} : memref<128x60xf32, #tpu.memory_space<vmem>>, vector<1x16xf32>,
      %swap3A_275 = vector.shape_cast %swap3A_274 : vector<1x16xf32> to vector<16xf32>
      %swap3A_276 = vector.shape_cast %mul3A_271 : vector<16xf32> to vector<1x16xf32>
      tpu.vector_store %arg10[%swap3A_272, %swap3A_273], %swap3A_276 {strides = array<i32>} : memref<128x60xf32, #tpu.memory_space<vmem>>, vector<1x16xf32>,
      %mul3A_277 = vector.broadcast %scan3A_89 : f32 to vector<16xf32>
      %mul3A_278 = arith.mulf %scan3A_250#3, %mul3A_277 : vector<16xf32>
      %swap3A_279 = arith.index_cast %add3A_255 : i32 to index
      %swap3A_280 = arith.constant 44 : index
      %swap3A_281 = tpu.vector_load %arg10[%swap3A_279, %swap3A_280] {strides = array<i32>} : memref<128x60xf32, #tpu.memory_space<vmem>>, vector<1x16xf32>,
      %swap3A_282 = vector.shape_cast %swap3A_281 : vector<1x16xf32> to vector<16xf32>
      %swap3A_283 = vector.shape_cast %mul3A_278 : vector<16xf32> to vector<1x16xf32>
      tpu.vector_store %arg10[%swap3A_279, %swap3A_280], %swap3A_283 {strides = array<i32>} : memref<128x60xf32, #tpu.memory_space<vmem>>, vector<1x16xf32>,
      %add3A_284 = arith.constant 4 : i32
      %add3A_285 = arith.addi %add3A_195, %add3A_284 : i32
      %lt3A_286 = arith.constant 64 : i32
      %lt3A_287 = arith.cmpi slt, %add3A_285, %lt3A_286 : i32
      %convert_element_type3A_288 = arith.extui %lt3A_287 : i1 to i32
      %cond3A_289 = arith.constant 0 : i32
      %cond3A_290 = arith.cmpi ne, %convert_element_type3A_288, %cond3A_289 : i32
      scf.if %cond3A_290 {
        %add3A_489 = arith.addi %mul3A_2, %add3A_285 : i32
        %dma_start3A_490 = arith.constant 0 : i32
        %dma_start3A_491 = tpu.memref_slice %arg2[%add3A_489, %dma_start3A_490] : memref<2048x100xi32, #tpu.memory_space<hbm>> -> memref<1x100xi32, #tpu.memory_space<hbm>>
        %dma_start3A_492 = tpu.memref_squeeze %dma_start3A_491 : memref<1x100xi32, #tpu.memory_space<hbm>> -> memref<100xi32, #tpu.memory_space<hbm>>
        %dma_start3A_493 = arith.constant 0 : i32
        %dma_start3A_494 = tpu.memref_slice %arg2[%add3A_489, %dma_start3A_493] : memref<2048x100xi32, #tpu.memory_space<hbm>> -> memref<1x100xi32, #tpu.memory_space<hbm>>
        %dma_start3A_495 = tpu.memref_squeeze %dma_start3A_494 : memref<1x100xi32, #tpu.memory_space<hbm>> -> memref<100xi32, #tpu.memory_space<hbm>>
        tpu.enqueue_dma source(%dma_start3A_495 : memref<100xi32, #tpu.memory_space<hbm>>) target(%arg6 : memref<100xi32, #tpu.memory_space<vmem>>) target_semaphore(%arg16 : memref<!tpu.dma_semaphore, #tpu.memory_space<semaphore_mem>>)
        %dma_wait3A_496 = arith.constant 0 : i32
        %dma_wait3A_497 = tpu.memref_slice %arg2[%mul3A_2, %dma_wait3A_496] : memref<2048x100xi32, #tpu.memory_space<hbm>> -> memref<1x100xi32, #tpu.memory_space<hbm>>
        %dma_wait3A_498 = tpu.memref_squeeze %dma_wait3A_497 : memref<1x100xi32, #tpu.memory_space<hbm>> -> memref<100xi32, #tpu.memory_space<hbm>>
        %dma_wait3A_499 = arith.constant 0 : i32
        %dma_wait3A_500 = tpu.memref_slice %arg2[%mul3A_2, %dma_wait3A_499] : memref<2048x100xi32, #tpu.memory_space<hbm>> -> memref<1x100xi32, #tpu.memory_space<hbm>>
        %dma_wait3A_501 = tpu.memref_squeeze %dma_wait3A_500 : memref<1x100xi32, #tpu.memory_space<hbm>> -> memref<100xi32, #tpu.memory_space<hbm>>
        tpu.wait_dma2 semaphore(%arg16 : memref<!tpu.dma_semaphore, #tpu.memory_space<semaphore_mem>>) src(%dma_wait3A_501 : memref<100xi32, #tpu.memory_space<hbm>>) dst(%arg6 : memref<100xi32, #tpu.memory_space<vmem>>)
        %dma_start3A_502 = arith.constant 1 : i32
        %dma_start3A_503 = arith.constant 0 : i32
        %dma_start3A_504 = arith.constant 0 : i32
        %dma_start3A_505 = tpu.memref_slice %arg9[%dma_start3A_502, %dma_start3A_503, %dma_start3A_504] : memref<4x100x60xf32, #tpu.memory_space<vmem>> -> memref<1x100x60xf32, #tpu.memory_space<vmem>>
        %dma_start3A_506 = tpu.memref_squeeze %dma_start3A_505 : memref<1x100x60xf32, #tpu.memory_space<vmem>> -> memref<100x60xf32, #tpu.memory_space<vmem>>
        %dma_start3A_507 = arith.constant 0 : i32
        %dma_start3A_508 = arith.constant 0 : i32
        %dma_start3A_509 = tpu.memref_slice %arg3[%dma_start3A_507, %dma_start3A_508] : memref<1000000x60xf32, #tpu.memory_space<hbm>> -> memref<1000000x60xf32, #tpu.memory_space<hbm>>
        tpu.enqueue_indirect_dma source(%dma_start3A_509 : memref<1000000x60xf32, #tpu.memory_space<hbm>>) target(%dma_start3A_506 : memref<100x60xf32, #tpu.memory_space<vmem>>) offsets(%arg6 : memref<100xi32, #tpu.memory_space<vmem>>) semaphore(%arg12 : memref<!tpu.dma_semaphore, #tpu.memory_space<semaphore_mem>>)
      } else {
      }
      %mul3A_291 = arith.constant 4 : i32
      %mul3A_292 = arith.muli %scan3A_97, %mul3A_291 : i32
      %add3A_293 = arith.constant 2 : i32
      %add3A_294 = arith.addi %mul3A_292, %add3A_293 : i32
      %dma_wait3A_295 = arith.constant 2 : i32
      %dma_wait3A_296 = arith.constant 0 : i32
      %dma_wait3A_297 = arith.constant 0 : i32
      %dma_wait3A_298 = tpu.memref_slice %arg9[%dma_wait3A_295, %dma_wait3A_296, %dma_wait3A_297] : memref<4x100x60xf32, #tpu.memory_space<vmem>> -> memref<1x100x60xf32, #tpu.memory_space<vmem>>
      %dma_wait3A_299 = tpu.memref_squeeze %dma_wait3A_298 : memref<1x100x60xf32, #tpu.memory_space<vmem>> -> memref<100x60xf32, #tpu.memory_space<vmem>>
      %dma_wait3A_300 = arith.constant 0 : i32
      %dma_wait3A_301 = arith.constant 0 : i32
      %dma_wait3A_302 = tpu.memref_slice %arg3[%dma_wait3A_300, %dma_wait3A_301] : memref<1000000x60xf32, #tpu.memory_space<hbm>> -> memref<1000000x60xf32, #tpu.memory_space<hbm>>
      tpu.wait_indirect_dma semaphore(%arg13 : memref<!tpu.dma_semaphore, #tpu.memory_space<semaphore_mem>>) src(%dma_wait3A_302 : memref<1000000x60xf32, #tpu.memory_space<hbm>>) dst(%dma_wait3A_299 : memref<100x60xf32, #tpu.memory_space<vmem>>)
      %broadcast_in_dim3A_303 = arith.constant 0.000000e+00 : f32
      %broadcast_in_dim3A_304 = vector.broadcast %broadcast_in_dim3A_303 : f32 to vector<16xf32>
      %scan3A_305 = arith.constant 0 : i32
      %scan3A_306 = arith.constant 50 : i32
      %scan3A_307 = arith.addi %scan3A_305, %scan3A_306 : i32
      %scan3A_308 = arith.constant 1 : i32
      %scan3A_309:4 = scf.for %scan3A_489 = %scan3A_305 to %scan3A_307 step %scan3A_308 iter_args(%scan3A_490 = %broadcast_in_dim3A_304, %scan3A_491 = %broadcast_in_dim3A_304, %scan3A_492 = %broadcast_in_dim3A_304, %scan3A_493 = %broadcast_in_dim3A_304) -> (vector<16xf32>, vector<16xf32>, vector<16xf32>, vector<16xf32>)  : i32 {
        %add3A_494 = arith.constant 0 : i32
        %add3A_495 = arith.addi %add3A_494, %scan3A_489 : i32
        %get3A = arith.constant 2 : i32
        %get3A_496 = arith.index_cast %get3A : i32 to index
        %get3A_497 = arith.index_cast %add3A_495 : i32 to index
        %get3A_498 = arith.constant 0 : index
        %get3A_499 = tpu.vector_load %arg9[%get3A_496, %get3A_497, %get3A_498] {strides = array<i32>} : memref<4x100x60xf32, #tpu.memory_space<vmem>>, vector<1x1x16xf32>,
        %get3A_500 = vector.shape_cast %get3A_499 : vector<1x1x16xf32> to vector<16xf32>
        %add3A_501 = arith.addf %scan3A_490, %get3A_500 : vector<16xf32>
        %add3A_502 = arith.constant 0 : i32
        %add3A_503 = arith.addi %add3A_502, %scan3A_489 : i32
        %get3A_504 = arith.constant 2 : i32
        %get3A_505 = arith.index_cast %get3A_504 : i32 to index
        %get3A_506 = arith.index_cast %add3A_503 : i32 to index
        %get3A_507 = arith.constant 16 : index
        %get3A_508 = tpu.vector_load %arg9[%get3A_505, %get3A_506, %get3A_507] {strides = array<i32>} : memref<4x100x60xf32, #tpu.memory_space<vmem>>, vector<1x1x16xf32>,
        %get3A_509 = vector.shape_cast %get3A_508 : vector<1x1x16xf32> to vector<16xf32>
        %add3A_510 = arith.addf %scan3A_491, %get3A_509 : vector<16xf32>
        %add3A_511 = arith.constant 0 : i32
        %add3A_512 = arith.addi %add3A_511, %scan3A_489 : i32
        %get3A_513 = arith.constant 2 : i32
        %get3A_514 = arith.index_cast %get3A_513 : i32 to index
        %get3A_515 = arith.index_cast %add3A_512 : i32 to index
        %get3A_516 = arith.constant 32 : index
        %get3A_517 = tpu.vector_load %arg9[%get3A_514, %get3A_515, %get3A_516] {strides = array<i32>} : memref<4x100x60xf32, #tpu.memory_space<vmem>>, vector<1x1x16xf32>,
        %get3A_518 = vector.shape_cast %get3A_517 : vector<1x1x16xf32> to vector<16xf32>
        %add3A_519 = arith.addf %scan3A_492, %get3A_518 : vector<16xf32>
        %add3A_520 = arith.constant 0 : i32
        %add3A_521 = arith.addi %add3A_520, %scan3A_489 : i32
        %get3A_522 = arith.constant 2 : i32
        %get3A_523 = arith.index_cast %get3A_522 : i32 to index
        %get3A_524 = arith.index_cast %add3A_521 : i32 to index
        %get3A_525 = arith.constant 44 : index
        %get3A_526 = tpu.vector_load %arg9[%get3A_523, %get3A_524, %get3A_525] {strides = array<i32>} : memref<4x100x60xf32, #tpu.memory_space<vmem>>, vector<1x1x16xf32>,
        %get3A_527 = vector.shape_cast %get3A_526 : vector<1x1x16xf32> to vector<16xf32>
        %add3A_528 = arith.addf %scan3A_493, %get3A_527 : vector<16xf32>
        scf.yield %add3A_501, %add3A_510, %add3A_519, %add3A_528 : vector<16xf32>, vector<16xf32>, vector<16xf32>, vector<16xf32>
      }
      %scan3A_310 = arith.constant 50 : i32
      %mul3A_311 = arith.constant 2 : i32
      %mul3A_312 = arith.muli %add3A_294, %mul3A_311 : i32
      %add3A_313 = arith.constant 0 : i32
      %add3A_314 = arith.addi %mul3A_312, %add3A_313 : i32
      %mul3A_315 = vector.broadcast %scan3A_89 : f32 to vector<16xf32>
      %mul3A_316 = arith.mulf %scan3A_309#0, %mul3A_315 : vector<16xf32>
      %swap3A_317 = arith.index_cast %add3A_314 : i32 to index
      %swap3A_318 = arith.constant 0 : index
      %swap3A_319 = tpu.vector_load %arg10[%swap3A_317, %swap3A_318] {strides = array<i32>} : memref<128x60xf32, #tpu.memory_space<vmem>>, vector<1x16xf32>,
      %swap3A_320 = vector.shape_cast %swap3A_319 : vector<1x16xf32> to vector<16xf32>
      %swap3A_321 = vector.shape_cast %mul3A_316 : vector<16xf32> to vector<1x16xf32>
      tpu.vector_store %arg10[%swap3A_317, %swap3A_318], %swap3A_321 {strides = array<i32>} : memref<128x60xf32, #tpu.memory_space<vmem>>, vector<1x16xf32>,
      %mul3A_322 = vector.broadcast %scan3A_89 : f32 to vector<16xf32>
      %mul3A_323 = arith.mulf %scan3A_309#1, %mul3A_322 : vector<16xf32>
      %swap3A_324 = arith.index_cast %add3A_314 : i32 to index
      %swap3A_325 = arith.constant 16 : index
      %swap3A_326 = tpu.vector_load %arg10[%swap3A_324, %swap3A_325] {strides = array<i32>} : memref<128x60xf32, #tpu.memory_space<vmem>>, vector<1x16xf32>,
      %swap3A_327 = vector.shape_cast %swap3A_326 : vector<1x16xf32> to vector<16xf32>
      %swap3A_328 = vector.shape_cast %mul3A_323 : vector<16xf32> to vector<1x16xf32>
      tpu.vector_store %arg10[%swap3A_324, %swap3A_325], %swap3A_328 {strides = array<i32>} : memref<128x60xf32, #tpu.memory_space<vmem>>, vector<1x16xf32>,
      %mul3A_329 = vector.broadcast %scan3A_89 : f32 to vector<16xf32>
      %mul3A_330 = arith.mulf %scan3A_309#2, %mul3A_329 : vector<16xf32>
      %swap3A_331 = arith.index_cast %add3A_314 : i32 to index
      %swap3A_332 = arith.constant 32 : index
      %swap3A_333 = tpu.vector_load %arg10[%swap3A_331, %swap3A_332] {strides = array<i32>} : memref<128x60xf32, #tpu.memory_space<vmem>>, vector<1x16xf32>,
      %swap3A_334 = vector.shape_cast %swap3A_333 : vector<1x16xf32> to vector<16xf32>
      %swap3A_335 = vector.shape_cast %mul3A_330 : vector<16xf32> to vector<1x16xf32>
      tpu.vector_store %arg10[%swap3A_331, %swap3A_332], %swap3A_335 {strides = array<i32>} : memref<128x60xf32, #tpu.memory_space<vmem>>, vector<1x16xf32>,
      %mul3A_336 = vector.broadcast %scan3A_89 : f32 to vector<16xf32>
      %mul3A_337 = arith.mulf %scan3A_309#3, %mul3A_336 : vector<16xf32>
      %swap3A_338 = arith.index_cast %add3A_314 : i32 to index
      %swap3A_339 = arith.constant 44 : index
      %swap3A_340 = tpu.vector_load %arg10[%swap3A_338, %swap3A_339] {strides = array<i32>} : memref<128x60xf32, #tpu.memory_space<vmem>>, vector<1x16xf32>,
      %swap3A_341 = vector.shape_cast %swap3A_340 : vector<1x16xf32> to vector<16xf32>
      %swap3A_342 = vector.shape_cast %mul3A_337 : vector<16xf32> to vector<1x16xf32>
      tpu.vector_store %arg10[%swap3A_338, %swap3A_339], %swap3A_342 {strides = array<i32>} : memref<128x60xf32, #tpu.memory_space<vmem>>, vector<1x16xf32>,
      %broadcast_in_dim3A_343 = arith.constant 0.000000e+00 : f32
      %broadcast_in_dim3A_344 = vector.broadcast %broadcast_in_dim3A_343 : f32 to vector<16xf32>
      %scan3A_345 = arith.constant 0 : i32
      %scan3A_346 = arith.constant 50 : i32
      %scan3A_347 = arith.addi %scan3A_345, %scan3A_346 : i32
      %scan3A_348 = arith.constant 1 : i32
      %scan3A_349:4 = scf.for %scan3A_489 = %scan3A_345 to %scan3A_347 step %scan3A_348 iter_args(%scan3A_490 = %broadcast_in_dim3A_344, %scan3A_491 = %broadcast_in_dim3A_344, %scan3A_492 = %broadcast_in_dim3A_344, %scan3A_493 = %broadcast_in_dim3A_344) -> (vector<16xf32>, vector<16xf32>, vector<16xf32>, vector<16xf32>)  : i32 {
        %add3A_494 = arith.constant 50 : i32
        %add3A_495 = arith.addi %add3A_494, %scan3A_489 : i32
        %get3A = arith.constant 2 : i32
        %get3A_496 = arith.index_cast %get3A : i32 to index
        %get3A_497 = arith.index_cast %add3A_495 : i32 to index
        %get3A_498 = arith.constant 0 : index
        %get3A_499 = tpu.vector_load %arg9[%get3A_496, %get3A_497, %get3A_498] {strides = array<i32>} : memref<4x100x60xf32, #tpu.memory_space<vmem>>, vector<1x1x16xf32>,
        %get3A_500 = vector.shape_cast %get3A_499 : vector<1x1x16xf32> to vector<16xf32>
        %add3A_501 = arith.addf %scan3A_490, %get3A_500 : vector<16xf32>
        %add3A_502 = arith.constant 50 : i32
        %add3A_503 = arith.addi %add3A_502, %scan3A_489 : i32
        %get3A_504 = arith.constant 2 : i32
        %get3A_505 = arith.index_cast %get3A_504 : i32 to index
        %get3A_506 = arith.index_cast %add3A_503 : i32 to index
        %get3A_507 = arith.constant 16 : index
        %get3A_508 = tpu.vector_load %arg9[%get3A_505, %get3A_506, %get3A_507] {strides = array<i32>} : memref<4x100x60xf32, #tpu.memory_space<vmem>>, vector<1x1x16xf32>,
        %get3A_509 = vector.shape_cast %get3A_508 : vector<1x1x16xf32> to vector<16xf32>
        %add3A_510 = arith.addf %scan3A_491, %get3A_509 : vector<16xf32>
        %add3A_511 = arith.constant 50 : i32
        %add3A_512 = arith.addi %add3A_511, %scan3A_489 : i32
        %get3A_513 = arith.constant 2 : i32
        %get3A_514 = arith.index_cast %get3A_513 : i32 to index
        %get3A_515 = arith.index_cast %add3A_512 : i32 to index
        %get3A_516 = arith.constant 32 : index
        %get3A_517 = tpu.vector_load %arg9[%get3A_514, %get3A_515, %get3A_516] {strides = array<i32>} : memref<4x100x60xf32, #tpu.memory_space<vmem>>, vector<1x1x16xf32>,
        %get3A_518 = vector.shape_cast %get3A_517 : vector<1x1x16xf32> to vector<16xf32>
        %add3A_519 = arith.addf %scan3A_492, %get3A_518 : vector<16xf32>
        %add3A_520 = arith.constant 50 : i32
        %add3A_521 = arith.addi %add3A_520, %scan3A_489 : i32
        %get3A_522 = arith.constant 2 : i32
        %get3A_523 = arith.index_cast %get3A_522 : i32 to index
        %get3A_524 = arith.index_cast %add3A_521 : i32 to index
        %get3A_525 = arith.constant 44 : index
        %get3A_526 = tpu.vector_load %arg9[%get3A_523, %get3A_524, %get3A_525] {strides = array<i32>} : memref<4x100x60xf32, #tpu.memory_space<vmem>>, vector<1x1x16xf32>,
        %get3A_527 = vector.shape_cast %get3A_526 : vector<1x1x16xf32> to vector<16xf32>
        %add3A_528 = arith.addf %scan3A_493, %get3A_527 : vector<16xf32>
        scf.yield %add3A_501, %add3A_510, %add3A_519, %add3A_528 : vector<16xf32>, vector<16xf32>, vector<16xf32>, vector<16xf32>
      }
      %scan3A_350 = arith.constant 50 : i32
      %mul3A_351 = arith.constant 2 : i32
      %mul3A_352 = arith.muli %add3A_294, %mul3A_351 : i32
      %add3A_353 = arith.constant 1 : i32
      %add3A_354 = arith.addi %mul3A_352, %add3A_353 : i32
      %mul3A_355 = vector.broadcast %scan3A_89 : f32 to vector<16xf32>
      %mul3A_356 = arith.mulf %scan3A_349#0, %mul3A_355 : vector<16xf32>
      %swap3A_357 = arith.index_cast %add3A_354 : i32 to index
      %swap3A_358 = arith.constant 0 : index
      %swap3A_359 = tpu.vector_load %arg10[%swap3A_357, %swap3A_358] {strides = array<i32>} : memref<128x60xf32, #tpu.memory_space<vmem>>, vector<1x16xf32>,
      %swap3A_360 = vector.shape_cast %swap3A_359 : vector<1x16xf32> to vector<16xf32>
      %swap3A_361 = vector.shape_cast %mul3A_356 : vector<16xf32> to vector<1x16xf32>
      tpu.vector_store %arg10[%swap3A_357, %swap3A_358], %swap3A_361 {strides = array<i32>} : memref<128x60xf32, #tpu.memory_space<vmem>>, vector<1x16xf32>,
      %mul3A_362 = vector.broadcast %scan3A_89 : f32 to vector<16xf32>
      %mul3A_363 = arith.mulf %scan3A_349#1, %mul3A_362 : vector<16xf32>
      %swap3A_364 = arith.index_cast %add3A_354 : i32 to index
      %swap3A_365 = arith.constant 16 : index
      %swap3A_366 = tpu.vector_load %arg10[%swap3A_364, %swap3A_365] {strides = array<i32>} : memref<128x60xf32, #tpu.memory_space<vmem>>, vector<1x16xf32>,
      %swap3A_367 = vector.shape_cast %swap3A_366 : vector<1x16xf32> to vector<16xf32>
      %swap3A_368 = vector.shape_cast %mul3A_363 : vector<16xf32> to vector<1x16xf32>
      tpu.vector_store %arg10[%swap3A_364, %swap3A_365], %swap3A_368 {strides = array<i32>} : memref<128x60xf32, #tpu.memory_space<vmem>>, vector<1x16xf32>,
      %mul3A_369 = vector.broadcast %scan3A_89 : f32 to vector<16xf32>
      %mul3A_370 = arith.mulf %scan3A_349#2, %mul3A_369 : vector<16xf32>
      %swap3A_371 = arith.index_cast %add3A_354 : i32 to index
      %swap3A_372 = arith.constant 32 : index
      %swap3A_373 = tpu.vector_load %arg10[%swap3A_371, %swap3A_372] {strides = array<i32>} : memref<128x60xf32, #tpu.memory_space<vmem>>, vector<1x16xf32>,
      %swap3A_374 = vector.shape_cast %swap3A_373 : vector<1x16xf32> to vector<16xf32>
      %swap3A_375 = vector.shape_cast %mul3A_370 : vector<16xf32> to vector<1x16xf32>
      tpu.vector_store %arg10[%swap3A_371, %swap3A_372], %swap3A_375 {strides = array<i32>} : memref<128x60xf32, #tpu.memory_space<vmem>>, vector<1x16xf32>,
      %mul3A_376 = vector.broadcast %scan3A_89 : f32 to vector<16xf32>
      %mul3A_377 = arith.mulf %scan3A_349#3, %mul3A_376 : vector<16xf32>
      %swap3A_378 = arith.index_cast %add3A_354 : i32 to index
      %swap3A_379 = arith.constant 44 : index
      %swap3A_380 = tpu.vector_load %arg10[%swap3A_378, %swap3A_379] {strides = array<i32>} : memref<128x60xf32, #tpu.memory_space<vmem>>, vector<1x16xf32>,
      %swap3A_381 = vector.shape_cast %swap3A_380 : vector<1x16xf32> to vector<16xf32>
      %swap3A_382 = vector.shape_cast %mul3A_377 : vector<16xf32> to vector<1x16xf32>
      tpu.vector_store %arg10[%swap3A_378, %swap3A_379], %swap3A_382 {strides = array<i32>} : memref<128x60xf32, #tpu.memory_space<vmem>>, vector<1x16xf32>,
      %add3A_383 = arith.constant 4 : i32
      %add3A_384 = arith.addi %add3A_294, %add3A_383 : i32
      %lt3A_385 = arith.constant 64 : i32
      %lt3A_386 = arith.cmpi slt, %add3A_384, %lt3A_385 : i32
      %convert_element_type3A_387 = arith.extui %lt3A_386 : i1 to i32
      %cond3A_388 = arith.constant 0 : i32
      %cond3A_389 = arith.cmpi ne, %convert_element_type3A_387, %cond3A_388 : i32
      scf.if %cond3A_389 {
        %add3A_489 = arith.addi %mul3A_2, %add3A_384 : i32
        %dma_start3A_490 = arith.constant 0 : i32
        %dma_start3A_491 = tpu.memref_slice %arg2[%add3A_489, %dma_start3A_490] : memref<2048x100xi32, #tpu.memory_space<hbm>> -> memref<1x100xi32, #tpu.memory_space<hbm>>
        %dma_start3A_492 = tpu.memref_squeeze %dma_start3A_491 : memref<1x100xi32, #tpu.memory_space<hbm>> -> memref<100xi32, #tpu.memory_space<hbm>>
        %dma_start3A_493 = arith.constant 0 : i32
        %dma_start3A_494 = tpu.memref_slice %arg2[%add3A_489, %dma_start3A_493] : memref<2048x100xi32, #tpu.memory_space<hbm>> -> memref<1x100xi32, #tpu.memory_space<hbm>>
        %dma_start3A_495 = tpu.memref_squeeze %dma_start3A_494 : memref<1x100xi32, #tpu.memory_space<hbm>> -> memref<100xi32, #tpu.memory_space<hbm>>
        tpu.enqueue_dma source(%dma_start3A_495 : memref<100xi32, #tpu.memory_space<hbm>>) target(%arg7 : memref<100xi32, #tpu.memory_space<vmem>>) target_semaphore(%arg17 : memref<!tpu.dma_semaphore, #tpu.memory_space<semaphore_mem>>)
        %dma_wait3A_496 = arith.constant 0 : i32
        %dma_wait3A_497 = tpu.memref_slice %arg2[%mul3A_2, %dma_wait3A_496] : memref<2048x100xi32, #tpu.memory_space<hbm>> -> memref<1x100xi32, #tpu.memory_space<hbm>>
        %dma_wait3A_498 = tpu.memref_squeeze %dma_wait3A_497 : memref<1x100xi32, #tpu.memory_space<hbm>> -> memref<100xi32, #tpu.memory_space<hbm>>
        %dma_wait3A_499 = arith.constant 0 : i32
        %dma_wait3A_500 = tpu.memref_slice %arg2[%mul3A_2, %dma_wait3A_499] : memref<2048x100xi32, #tpu.memory_space<hbm>> -> memref<1x100xi32, #tpu.memory_space<hbm>>
        %dma_wait3A_501 = tpu.memref_squeeze %dma_wait3A_500 : memref<1x100xi32, #tpu.memory_space<hbm>> -> memref<100xi32, #tpu.memory_space<hbm>>
        tpu.wait_dma2 semaphore(%arg17 : memref<!tpu.dma_semaphore, #tpu.memory_space<semaphore_mem>>) src(%dma_wait3A_501 : memref<100xi32, #tpu.memory_space<hbm>>) dst(%arg7 : memref<100xi32, #tpu.memory_space<vmem>>)
        %dma_start3A_502 = arith.constant 2 : i32
        %dma_start3A_503 = arith.constant 0 : i32
        %dma_start3A_504 = arith.constant 0 : i32
        %dma_start3A_505 = tpu.memref_slice %arg9[%dma_start3A_502, %dma_start3A_503, %dma_start3A_504] : memref<4x100x60xf32, #tpu.memory_space<vmem>> -> memref<1x100x60xf32, #tpu.memory_space<vmem>>
        %dma_start3A_506 = tpu.memref_squeeze %dma_start3A_505 : memref<1x100x60xf32, #tpu.memory_space<vmem>> -> memref<100x60xf32, #tpu.memory_space<vmem>>
        %dma_start3A_507 = arith.constant 0 : i32
        %dma_start3A_508 = arith.constant 0 : i32
        %dma_start3A_509 = tpu.memref_slice %arg3[%dma_start3A_507, %dma_start3A_508] : memref<1000000x60xf32, #tpu.memory_space<hbm>> -> memref<1000000x60xf32, #tpu.memory_space<hbm>>
        tpu.enqueue_indirect_dma source(%dma_start3A_509 : memref<1000000x60xf32, #tpu.memory_space<hbm>>) target(%dma_start3A_506 : memref<100x60xf32, #tpu.memory_space<vmem>>) offsets(%arg7 : memref<100xi32, #tpu.memory_space<vmem>>) semaphore(%arg13 : memref<!tpu.dma_semaphore, #tpu.memory_space<semaphore_mem>>)
      } else {
      }
      %mul3A_390 = arith.constant 4 : i32
      %mul3A_391 = arith.muli %scan3A_97, %mul3A_390 : i32
      %add3A_392 = arith.constant 3 : i32
      %add3A_393 = arith.addi %mul3A_391, %add3A_392 : i32
      %dma_wait3A_394 = arith.constant 3 : i32
      %dma_wait3A_395 = arith.constant 0 : i32
      %dma_wait3A_396 = arith.constant 0 : i32
      %dma_wait3A_397 = tpu.memref_slice %arg9[%dma_wait3A_394, %dma_wait3A_395, %dma_wait3A_396] : memref<4x100x60xf32, #tpu.memory_space<vmem>> -> memref<1x100x60xf32, #tpu.memory_space<vmem>>
      %dma_wait3A_398 = tpu.memref_squeeze %dma_wait3A_397 : memref<1x100x60xf32, #tpu.memory_space<vmem>> -> memref<100x60xf32, #tpu.memory_space<vmem>>
      %dma_wait3A_399 = arith.constant 0 : i32
      %dma_wait3A_400 = arith.constant 0 : i32
      %dma_wait3A_401 = tpu.memref_slice %arg3[%dma_wait3A_399, %dma_wait3A_400] : memref<1000000x60xf32, #tpu.memory_space<hbm>> -> memref<1000000x60xf32, #tpu.memory_space<hbm>>
      tpu.wait_indirect_dma semaphore(%arg14 : memref<!tpu.dma_semaphore, #tpu.memory_space<semaphore_mem>>) src(%dma_wait3A_401 : memref<1000000x60xf32, #tpu.memory_space<hbm>>) dst(%dma_wait3A_398 : memref<100x60xf32, #tpu.memory_space<vmem>>)
      %broadcast_in_dim3A_402 = arith.constant 0.000000e+00 : f32
      %broadcast_in_dim3A_403 = vector.broadcast %broadcast_in_dim3A_402 : f32 to vector<16xf32>
      %scan3A_404 = arith.constant 0 : i32
      %scan3A_405 = arith.constant 50 : i32
      %scan3A_406 = arith.addi %scan3A_404, %scan3A_405 : i32
      %scan3A_407 = arith.constant 1 : i32
      %scan3A_408:4 = scf.for %scan3A_489 = %scan3A_404 to %scan3A_406 step %scan3A_407 iter_args(%scan3A_490 = %broadcast_in_dim3A_403, %scan3A_491 = %broadcast_in_dim3A_403, %scan3A_492 = %broadcast_in_dim3A_403, %scan3A_493 = %broadcast_in_dim3A_403) -> (vector<16xf32>, vector<16xf32>, vector<16xf32>, vector<16xf32>)  : i32 {
        %add3A_494 = arith.constant 0 : i32
        %add3A_495 = arith.addi %add3A_494, %scan3A_489 : i32
        %get3A = arith.constant 3 : i32
        %get3A_496 = arith.index_cast %get3A : i32 to index
        %get3A_497 = arith.index_cast %add3A_495 : i32 to index
        %get3A_498 = arith.constant 0 : index
        %get3A_499 = tpu.vector_load %arg9[%get3A_496, %get3A_497, %get3A_498] {strides = array<i32>} : memref<4x100x60xf32, #tpu.memory_space<vmem>>, vector<1x1x16xf32>,
        %get3A_500 = vector.shape_cast %get3A_499 : vector<1x1x16xf32> to vector<16xf32>
        %add3A_501 = arith.addf %scan3A_490, %get3A_500 : vector<16xf32>
        %add3A_502 = arith.constant 0 : i32
        %add3A_503 = arith.addi %add3A_502, %scan3A_489 : i32
        %get3A_504 = arith.constant 3 : i32
        %get3A_505 = arith.index_cast %get3A_504 : i32 to index
        %get3A_506 = arith.index_cast %add3A_503 : i32 to index
        %get3A_507 = arith.constant 16 : index
        %get3A_508 = tpu.vector_load %arg9[%get3A_505, %get3A_506, %get3A_507] {strides = array<i32>} : memref<4x100x60xf32, #tpu.memory_space<vmem>>, vector<1x1x16xf32>,
        %get3A_509 = vector.shape_cast %get3A_508 : vector<1x1x16xf32> to vector<16xf32>
        %add3A_510 = arith.addf %scan3A_491, %get3A_509 : vector<16xf32>
        %add3A_511 = arith.constant 0 : i32
        %add3A_512 = arith.addi %add3A_511, %scan3A_489 : i32
        %get3A_513 = arith.constant 3 : i32
        %get3A_514 = arith.index_cast %get3A_513 : i32 to index
        %get3A_515 = arith.index_cast %add3A_512 : i32 to index
        %get3A_516 = arith.constant 32 : index
        %get3A_517 = tpu.vector_load %arg9[%get3A_514, %get3A_515, %get3A_516] {strides = array<i32>} : memref<4x100x60xf32, #tpu.memory_space<vmem>>, vector<1x1x16xf32>,
        %get3A_518 = vector.shape_cast %get3A_517 : vector<1x1x16xf32> to vector<16xf32>
        %add3A_519 = arith.addf %scan3A_492, %get3A_518 : vector<16xf32>
        %add3A_520 = arith.constant 0 : i32
        %add3A_521 = arith.addi %add3A_520, %scan3A_489 : i32
        %get3A_522 = arith.constant 3 : i32
        %get3A_523 = arith.index_cast %get3A_522 : i32 to index
        %get3A_524 = arith.index_cast %add3A_521 : i32 to index
        %get3A_525 = arith.constant 44 : index
        %get3A_526 = tpu.vector_load %arg9[%get3A_523, %get3A_524, %get3A_525] {strides = array<i32>} : memref<4x100x60xf32, #tpu.memory_space<vmem>>, vector<1x1x16xf32>,
        %get3A_527 = vector.shape_cast %get3A_526 : vector<1x1x16xf32> to vector<16xf32>
        %add3A_528 = arith.addf %scan3A_493, %get3A_527 : vector<16xf32>
        scf.yield %add3A_501, %add3A_510, %add3A_519, %add3A_528 : vector<16xf32>, vector<16xf32>, vector<16xf32>, vector<16xf32>
      }
      %scan3A_409 = arith.constant 50 : i32
      %mul3A_410 = arith.constant 2 : i32
      %mul3A_411 = arith.muli %add3A_393, %mul3A_410 : i32
      %add3A_412 = arith.constant 0 : i32
      %add3A_413 = arith.addi %mul3A_411, %add3A_412 : i32
      %mul3A_414 = vector.broadcast %scan3A_89 : f32 to vector<16xf32>
      %mul3A_415 = arith.mulf %scan3A_408#0, %mul3A_414 : vector<16xf32>
      %swap3A_416 = arith.index_cast %add3A_413 : i32 to index
      %swap3A_417 = arith.constant 0 : index
      %swap3A_418 = tpu.vector_load %arg10[%swap3A_416, %swap3A_417] {strides = array<i32>} : memref<128x60xf32, #tpu.memory_space<vmem>>, vector<1x16xf32>,
      %swap3A_419 = vector.shape_cast %swap3A_418 : vector<1x16xf32> to vector<16xf32>
      %swap3A_420 = vector.shape_cast %mul3A_415 : vector<16xf32> to vector<1x16xf32>
      tpu.vector_store %arg10[%swap3A_416, %swap3A_417], %swap3A_420 {strides = array<i32>} : memref<128x60xf32, #tpu.memory_space<vmem>>, vector<1x16xf32>,
      %mul3A_421 = vector.broadcast %scan3A_89 : f32 to vector<16xf32>
      %mul3A_422 = arith.mulf %scan3A_408#1, %mul3A_421 : vector<16xf32>
      %swap3A_423 = arith.index_cast %add3A_413 : i32 to index
      %swap3A_424 = arith.constant 16 : index
      %swap3A_425 = tpu.vector_load %arg10[%swap3A_423, %swap3A_424] {strides = array<i32>} : memref<128x60xf32, #tpu.memory_space<vmem>>, vector<1x16xf32>,
      %swap3A_426 = vector.shape_cast %swap3A_425 : vector<1x16xf32> to vector<16xf32>
      %swap3A_427 = vector.shape_cast %mul3A_422 : vector<16xf32> to vector<1x16xf32>
      tpu.vector_store %arg10[%swap3A_423, %swap3A_424], %swap3A_427 {strides = array<i32>} : memref<128x60xf32, #tpu.memory_space<vmem>>, vector<1x16xf32>,
      %mul3A_428 = vector.broadcast %scan3A_89 : f32 to vector<16xf32>
      %mul3A_429 = arith.mulf %scan3A_408#2, %mul3A_428 : vector<16xf32>
      %swap3A_430 = arith.index_cast %add3A_413 : i32 to index
      %swap3A_431 = arith.constant 32 : index
      %swap3A_432 = tpu.vector_load %arg10[%swap3A_430, %swap3A_431] {strides = array<i32>} : memref<128x60xf32, #tpu.memory_space<vmem>>, vector<1x16xf32>,
      %swap3A_433 = vector.shape_cast %swap3A_432 : vector<1x16xf32> to vector<16xf32>
      %swap3A_434 = vector.shape_cast %mul3A_429 : vector<16xf32> to vector<1x16xf32>
      tpu.vector_store %arg10[%swap3A_430, %swap3A_431], %swap3A_434 {strides = array<i32>} : memref<128x60xf32, #tpu.memory_space<vmem>>, vector<1x16xf32>,
      %mul3A_435 = vector.broadcast %scan3A_89 : f32 to vector<16xf32>
      %mul3A_436 = arith.mulf %scan3A_408#3, %mul3A_435 : vector<16xf32>
      %swap3A_437 = arith.index_cast %add3A_413 : i32 to index
      %swap3A_438 = arith.constant 44 : index
      %swap3A_439 = tpu.vector_load %arg10[%swap3A_437, %swap3A_438] {strides = array<i32>} : memref<128x60xf32, #tpu.memory_space<vmem>>, vector<1x16xf32>,
      %swap3A_440 = vector.shape_cast %swap3A_439 : vector<1x16xf32> to vector<16xf32>
      %swap3A_441 = vector.shape_cast %mul3A_436 : vector<16xf32> to vector<1x16xf32>
      tpu.vector_store %arg10[%swap3A_437, %swap3A_438], %swap3A_441 {strides = array<i32>} : memref<128x60xf32, #tpu.memory_space<vmem>>, vector<1x16xf32>,
      %broadcast_in_dim3A_442 = arith.constant 0.000000e+00 : f32
      %broadcast_in_dim3A_443 = vector.broadcast %broadcast_in_dim3A_442 : f32 to vector<16xf32>
      %scan3A_444 = arith.constant 0 : i32
      %scan3A_445 = arith.constant 50 : i32
      %scan3A_446 = arith.addi %scan3A_444, %scan3A_445 : i32
      %scan3A_447 = arith.constant 1 : i32
      %scan3A_448:4 = scf.for %scan3A_489 = %scan3A_444 to %scan3A_446 step %scan3A_447 iter_args(%scan3A_490 = %broadcast_in_dim3A_443, %scan3A_491 = %broadcast_in_dim3A_443, %scan3A_492 = %broadcast_in_dim3A_443, %scan3A_493 = %broadcast_in_dim3A_443) -> (vector<16xf32>, vector<16xf32>, vector<16xf32>, vector<16xf32>)  : i32 {
        %add3A_494 = arith.constant 50 : i32
        %add3A_495 = arith.addi %add3A_494, %scan3A_489 : i32
        %get3A = arith.constant 3 : i32
        %get3A_496 = arith.index_cast %get3A : i32 to index
        %get3A_497 = arith.index_cast %add3A_495 : i32 to index
        %get3A_498 = arith.constant 0 : index
        %get3A_499 = tpu.vector_load %arg9[%get3A_496, %get3A_497, %get3A_498] {strides = array<i32>} : memref<4x100x60xf32, #tpu.memory_space<vmem>>, vector<1x1x16xf32>,
        %get3A_500 = vector.shape_cast %get3A_499 : vector<1x1x16xf32> to vector<16xf32>
        %add3A_501 = arith.addf %scan3A_490, %get3A_500 : vector<16xf32>
        %add3A_502 = arith.constant 50 : i32
        %add3A_503 = arith.addi %add3A_502, %scan3A_489 : i32
        %get3A_504 = arith.constant 3 : i32
        %get3A_505 = arith.index_cast %get3A_504 : i32 to index
        %get3A_506 = arith.index_cast %add3A_503 : i32 to index
        %get3A_507 = arith.constant 16 : index
        %get3A_508 = tpu.vector_load %arg9[%get3A_505, %get3A_506, %get3A_507] {strides = array<i32>} : memref<4x100x60xf32, #tpu.memory_space<vmem>>, vector<1x1x16xf32>,
        %get3A_509 = vector.shape_cast %get3A_508 : vector<1x1x16xf32> to vector<16xf32>
        %add3A_510 = arith.addf %scan3A_491, %get3A_509 : vector<16xf32>
        %add3A_511 = arith.constant 50 : i32
        %add3A_512 = arith.addi %add3A_511, %scan3A_489 : i32
        %get3A_513 = arith.constant 3 : i32
        %get3A_514 = arith.index_cast %get3A_513 : i32 to index
        %get3A_515 = arith.index_cast %add3A_512 : i32 to index
        %get3A_516 = arith.constant 32 : index
        %get3A_517 = tpu.vector_load %arg9[%get3A_514, %get3A_515, %get3A_516] {strides = array<i32>} : memref<4x100x60xf32, #tpu.memory_space<vmem>>, vector<1x1x16xf32>,
        %get3A_518 = vector.shape_cast %get3A_517 : vector<1x1x16xf32> to vector<16xf32>
        %add3A_519 = arith.addf %scan3A_492, %get3A_518 : vector<16xf32>
        %add3A_520 = arith.constant 50 : i32
        %add3A_521 = arith.addi %add3A_520, %scan3A_489 : i32
        %get3A_522 = arith.constant 3 : i32
        %get3A_523 = arith.index_cast %get3A_522 : i32 to index
        %get3A_524 = arith.index_cast %add3A_521 : i32 to index
        %get3A_525 = arith.constant 44 : index
        %get3A_526 = tpu.vector_load %arg9[%get3A_523, %get3A_524, %get3A_525] {strides = array<i32>} : memref<4x100x60xf32, #tpu.memory_space<vmem>>, vector<1x1x16xf32>,
        %get3A_527 = vector.shape_cast %get3A_526 : vector<1x1x16xf32> to vector<16xf32>
        %add3A_528 = arith.addf %scan3A_493, %get3A_527 : vector<16xf32>
        scf.yield %add3A_501, %add3A_510, %add3A_519, %add3A_528 : vector<16xf32>, vector<16xf32>, vector<16xf32>, vector<16xf32>
      }
      %scan3A_449 = arith.constant 50 : i32
      %mul3A_450 = arith.constant 2 : i32
      %mul3A_451 = arith.muli %add3A_393, %mul3A_450 : i32
      %add3A_452 = arith.constant 1 : i32
      %add3A_453 = arith.addi %mul3A_451, %add3A_452 : i32
      %mul3A_454 = vector.broadcast %scan3A_89 : f32 to vector<16xf32>
      %mul3A_455 = arith.mulf %scan3A_448#0, %mul3A_454 : vector<16xf32>
      %swap3A_456 = arith.index_cast %add3A_453 : i32 to index
      %swap3A_457 = arith.constant 0 : index
      %swap3A_458 = tpu.vector_load %arg10[%swap3A_456, %swap3A_457] {strides = array<i32>} : memref<128x60xf32, #tpu.memory_space<vmem>>, vector<1x16xf32>,
      %swap3A_459 = vector.shape_cast %swap3A_458 : vector<1x16xf32> to vector<16xf32>
      %swap3A_460 = vector.shape_cast %mul3A_455 : vector<16xf32> to vector<1x16xf32>
      tpu.vector_store %arg10[%swap3A_456, %swap3A_457], %swap3A_460 {strides = array<i32>} : memref<128x60xf32, #tpu.memory_space<vmem>>, vector<1x16xf32>,
      %mul3A_461 = vector.broadcast %scan3A_89 : f32 to vector<16xf32>
      %mul3A_462 = arith.mulf %scan3A_448#1, %mul3A_461 : vector<16xf32>
      %swap3A_463 = arith.index_cast %add3A_453 : i32 to index
      %swap3A_464 = arith.constant 16 : index
      %swap3A_465 = tpu.vector_load %arg10[%swap3A_463, %swap3A_464] {strides = array<i32>} : memref<128x60xf32, #tpu.memory_space<vmem>>, vector<1x16xf32>,
      %swap3A_466 = vector.shape_cast %swap3A_465 : vector<1x16xf32> to vector<16xf32>
      %swap3A_467 = vector.shape_cast %mul3A_462 : vector<16xf32> to vector<1x16xf32>
      tpu.vector_store %arg10[%swap3A_463, %swap3A_464], %swap3A_467 {strides = array<i32>} : memref<128x60xf32, #tpu.memory_space<vmem>>, vector<1x16xf32>,
      %mul3A_468 = vector.broadcast %scan3A_89 : f32 to vector<16xf32>
      %mul3A_469 = arith.mulf %scan3A_448#2, %mul3A_468 : vector<16xf32>
      %swap3A_470 = arith.index_cast %add3A_453 : i32 to index
      %swap3A_471 = arith.constant 32 : index
      %swap3A_472 = tpu.vector_load %arg10[%swap3A_470, %swap3A_471] {strides = array<i32>} : memref<128x60xf32, #tpu.memory_space<vmem>>, vector<1x16xf32>,
      %swap3A_473 = vector.shape_cast %swap3A_472 : vector<1x16xf32> to vector<16xf32>
      %swap3A_474 = vector.shape_cast %mul3A_469 : vector<16xf32> to vector<1x16xf32>
      tpu.vector_store %arg10[%swap3A_470, %swap3A_471], %swap3A_474 {strides = array<i32>} : memref<128x60xf32, #tpu.memory_space<vmem>>, vector<1x16xf32>,
      %mul3A_475 = vector.broadcast %scan3A_89 : f32 to vector<16xf32>
      %mul3A_476 = arith.mulf %scan3A_448#3, %mul3A_475 : vector<16xf32>
      %swap3A_477 = arith.index_cast %add3A_453 : i32 to index
      %swap3A_478 = arith.constant 44 : index
      %swap3A_479 = tpu.vector_load %arg10[%swap3A_477, %swap3A_478] {strides = array<i32>} : memref<128x60xf32, #tpu.memory_space<vmem>>, vector<1x16xf32>,
      %swap3A_480 = vector.shape_cast %swap3A_479 : vector<1x16xf32> to vector<16xf32>
      %swap3A_481 = vector.shape_cast %mul3A_476 : vector<16xf32> to vector<1x16xf32>
      tpu.vector_store %arg10[%swap3A_477, %swap3A_478], %swap3A_481 {strides = array<i32>} : memref<128x60xf32, #tpu.memory_space<vmem>>, vector<1x16xf32>,
      %add3A_482 = arith.constant 4 : i32
      %add3A_483 = arith.addi %add3A_393, %add3A_482 : i32
      %lt3A_484 = arith.constant 64 : i32
      %lt3A_485 = arith.cmpi slt, %add3A_483, %lt3A_484 : i32
      %convert_element_type3A_486 = arith.extui %lt3A_485 : i1 to i32
      %cond3A_487 = arith.constant 0 : i32
      %cond3A_488 = arith.cmpi ne, %convert_element_type3A_486, %cond3A_487 : i32
      scf.if %cond3A_488 {
        %add3A_489 = arith.addi %mul3A_2, %add3A_483 : i32
        %dma_start3A_490 = arith.constant 0 : i32
        %dma_start3A_491 = tpu.memref_slice %arg2[%add3A_489, %dma_start3A_490] : memref<2048x100xi32, #tpu.memory_space<hbm>> -> memref<1x100xi32, #tpu.memory_space<hbm>>
        %dma_start3A_492 = tpu.memref_squeeze %dma_start3A_491 : memref<1x100xi32, #tpu.memory_space<hbm>> -> memref<100xi32, #tpu.memory_space<hbm>>
        %dma_start3A_493 = arith.constant 0 : i32
        %dma_start3A_494 = tpu.memref_slice %arg2[%add3A_489, %dma_start3A_493] : memref<2048x100xi32, #tpu.memory_space<hbm>> -> memref<1x100xi32, #tpu.memory_space<hbm>>
        %dma_start3A_495 = tpu.memref_squeeze %dma_start3A_494 : memref<1x100xi32, #tpu.memory_space<hbm>> -> memref<100xi32, #tpu.memory_space<hbm>>
        tpu.enqueue_dma source(%dma_start3A_495 : memref<100xi32, #tpu.memory_space<hbm>>) target(%arg8 : memref<100xi32, #tpu.memory_space<vmem>>) target_semaphore(%arg18 : memref<!tpu.dma_semaphore, #tpu.memory_space<semaphore_mem>>)
        %dma_wait3A_496 = arith.constant 0 : i32
        %dma_wait3A_497 = tpu.memref_slice %arg2[%mul3A_2, %dma_wait3A_496] : memref<2048x100xi32, #tpu.memory_space<hbm>> -> memref<1x100xi32, #tpu.memory_space<hbm>>
        %dma_wait3A_498 = tpu.memref_squeeze %dma_wait3A_497 : memref<1x100xi32, #tpu.memory_space<hbm>> -> memref<100xi32, #tpu.memory_space<hbm>>
        %dma_wait3A_499 = arith.constant 0 : i32
        %dma_wait3A_500 = tpu.memref_slice %arg2[%mul3A_2, %dma_wait3A_499] : memref<2048x100xi32, #tpu.memory_space<hbm>> -> memref<1x100xi32, #tpu.memory_space<hbm>>
        %dma_wait3A_501 = tpu.memref_squeeze %dma_wait3A_500 : memref<1x100xi32, #tpu.memory_space<hbm>> -> memref<100xi32, #tpu.memory_space<hbm>>
        tpu.wait_dma2 semaphore(%arg18 : memref<!tpu.dma_semaphore, #tpu.memory_space<semaphore_mem>>) src(%dma_wait3A_501 : memref<100xi32, #tpu.memory_space<hbm>>) dst(%arg8 : memref<100xi32, #tpu.memory_space<vmem>>)
        %dma_start3A_502 = arith.constant 3 : i32
        %dma_start3A_503 = arith.constant 0 : i32
        %dma_start3A_504 = arith.constant 0 : i32
        %dma_start3A_505 = tpu.memref_slice %arg9[%dma_start3A_502, %dma_start3A_503, %dma_start3A_504] : memref<4x100x60xf32, #tpu.memory_space<vmem>> -> memref<1x100x60xf32, #tpu.memory_space<vmem>>
        %dma_start3A_506 = tpu.memref_squeeze %dma_start3A_505 : memref<1x100x60xf32, #tpu.memory_space<vmem>> -> memref<100x60xf32, #tpu.memory_space<vmem>>
        %dma_start3A_507 = arith.constant 0 : i32
        %dma_start3A_508 = arith.constant 0 : i32
        %dma_start3A_509 = tpu.memref_slice %arg3[%dma_start3A_507, %dma_start3A_508] : memref<1000000x60xf32, #tpu.memory_space<hbm>> -> memref<1000000x60xf32, #tpu.memory_space<hbm>>
        tpu.enqueue_indirect_dma source(%dma_start3A_509 : memref<1000000x60xf32, #tpu.memory_space<hbm>>) target(%dma_start3A_506 : memref<100x60xf32, #tpu.memory_space<vmem>>) offsets(%arg8 : memref<100xi32, #tpu.memory_space<vmem>>) semaphore(%arg14 : memref<!tpu.dma_semaphore, #tpu.memory_space<semaphore_mem>>)
      } else {
      }
    }
    %scan3A_94 = arith.constant 16 : i32
    %mul3A_95 = arith.constant 128 : i32
    %mul3A_96 = arith.muli %add3A, %mul3A_95 : i32
    "tpu.region"() ({
      %run_scoped3A = tpu.sem_alloc : memref<!tpu.dma_semaphore, #tpu.memory_space<semaphore_mem>>
      %dma_start3A_97 = arith.constant 0 : i32
      %dma_start3A_98 = tpu.memref_slice %arg4[%mul3A_96, %dma_start3A_97] : memref<4096x60xf32, #tpu.memory_space<hbm>> -> memref<128x60xf32, #tpu.memory_space<hbm>>
      %dma_start3A_99 = arith.constant 0 : i32
      %dma_start3A_100 = tpu.memref_slice %arg4[%mul3A_96, %dma_start3A_99] : memref<4096x60xf32, #tpu.memory_space<hbm>> -> memref<128x60xf32, #tpu.memory_space<hbm>>
      tpu.enqueue_dma source(%arg10 : memref<128x60xf32, #tpu.memory_space<vmem>>) target(%dma_start3A_100 : memref<128x60xf32, #tpu.memory_space<hbm>>) target_semaphore(%run_scoped3A : memref<!tpu.dma_semaphore, #tpu.memory_space<semaphore_mem>>)
      %dma_wait3A_101 = arith.constant 0 : i32
      %dma_wait3A_102 = tpu.memref_slice %arg4[%mul3A_96, %dma_wait3A_101] : memref<4096x60xf32, #tpu.memory_space<hbm>> -> memref<128x60xf32, #tpu.memory_space<hbm>>
      %dma_wait3A_103 = arith.constant 0 : i32
      %dma_wait3A_104 = tpu.memref_slice %arg4[%mul3A_96, %dma_wait3A_103] : memref<4096x60xf32, #tpu.memory_space<hbm>> -> memref<128x60xf32, #tpu.memory_space<hbm>>
      tpu.wait_dma2 semaphore(%run_scoped3A : memref<!tpu.dma_semaphore, #tpu.memory_space<semaphore_mem>>) src(%arg10 : memref<128x60xf32, #tpu.memory_space<vmem>>) dst(%dma_wait3A_104 : memref<128x60xf32, #tpu.memory_space<hbm>>)
      tpu.yield
    }) : () -> ()
    return
  }
}

</mosaic_0001>

<sc_bundles>
// kernel: kernel.3.cloned.1.call-start
scs
__scs_entry_jumppad:
0x0: {  	(pc) =	sbr.rel $0x88, $3  }
0x1: {  	(tag) =	ssettag $0x0;
	lr =	simm.s32 $0x1  }
0x2: {  	[smem:$0x3F9F] =	sst lr;
	_ =	strace $0xD0000000  }
0x3: {  	_ = 	snop  }
0x4: {  	_ = 	snop  }
0x5: {  	_ = 	snop  }
0x6: {  	_ = 	snop  }
0x7: {  	_ = 	snop  }
__scs_overlays_trampoline_lowered:
0x8: {  	[smem:$0x3FAE] =	sst s0  }
0x9: {  	[smem:$0x3FAF] =	sst s1  }
0xa: {  	[smem:$0x3FB0] =	sst s2  }
0xb: {  	[smem:$0x3FB1] =	sst s3  }
0xc: {  	[smem:$0x3FB2] =	sst s4  }
0xd: {  	[smem:$0x3FB3] =	sst s5  }
0xe: {  	[smem:$0x3FB4] =	sst s6  }
0xf: {  	[smem:$0x3FB5] =	sst s7  }
0x10: {  	[smem:$0x3FB6] =	sst s8  }
0x11: {  	[smem:$0x3FB7] =	sst s9;
	s0 =	simm.s32 @!p0 $0x0  }
0x12: {  	s1 =	sld [smem:$0x3F9D];
	s0 =	simm.s32 @p0 $0x1  }
0x13: {  	[smem:$0x3FB8] =	sst s0;
	s0 =	simm.s32 @!p1 $0x0  }
0x14: {  	s2 =	sld [smem:$0x3F9C];
	s0 =	simm.s32 @p1 $0x1  }
0x15: {  	[smem:$0x3FB9] =	sst s0;
	s0 =	simm.s32 @!p2 $0x0  }
0x16: {  	s3 =	sld [smem:$0x3FDB];
	s0 =	simm.s32 @p2 $0x1  }
0x17: {  	s4 =	simm.s32 $0x1BF5;
	[smem:$0x3FBB] =	sst s0  }
0x18: {  	s0 =	sld [smem:$0x3F9E];
	_ =	swait.ge [sflag:s4], $0x0  }
0x19: {  	s7 =	sld [smem:$0x3F9F]  }
0x1a: {  	s8 =	sadd.s32 $0xFFFFE003, lr  }
0x1b: {  	s9 =	sadd.s32 $0xFFFFFEF7, lr;
	s5 =	simm.s32 $0xFFFFFFFF;
	p2 =	slt.u32 s8, $0xFFFFF086  }
0x1c: {  	p1 =	slt.u32 s9, $0xF7A;
	s5 =	simm.s32 @!p2 $0x0  }
0x1d: {  	s5 =	simm.s32 @p1 $0x1;
	p0 =	seq.s32 s7, s2  }
0x1e: {  	s7 =	smul.u32 @!p0 $0xF7A, s2;
	p2 =	seq.s32 @!p0 s5, $0x0  }
0x1f: {  	s9 =	smul.u32 $0xF7A, s1;
	s8 =	simm.s32 @!p0 $0x1BF5;
	p2 =	por !p2, p0  }
0x20: {  	[sflag:s8] =	ssyncset.s32 @!p0 $0xFFFFF086;
	s6 =	sadd.s32 @!p0 s3, s7;
	s7 =	simm.s32 @!p0 $0x108  }
0x21: {  	s3 =	sadd.s32 s3, s9;
	s6 =	sadd.s32 @!p0 $0x88, s6;
	s7 =	simm.s32 @p2 $0x1082  }
0x22: {  	[simem:s7], [sflag:s8] =	dma.local @!p0 [hbm:s6], $0xF7A  }
0x23: {  	s9 =	sor.u32 $0xD0000000, s2;
	s6 =	simm.s32 $0x108;
	_ =	swait.ge @!p0 [sflag:s8], $0x0  }
0x24: {  	s3 =	sadd.s32 $0x88, s3;
	s6 =	simm.s32 @!p1 $0x1082;
	[sflag:s4] =	ssyncset.s32 $0xFFFFF086  }
0x25: {  	[simem:s6], [sflag:s4] =	dma.local [hbm:s3], $0xF7A  }
0x26: {  	[smem:$0x3F9F] =	sst s1;
	(tag) =	ssettag s2;
	_ =	strace s9  }
0x27: {  	s1 =	sld [smem:$0x3FAF]  }
0x28: {  	s2 =	sld [smem:$0x3FB0]  }
0x29: {  	s4 =	sld [smem:$0x3FB2]  }
0x2a: {  	p0 =	seq.s32 s5, $0x0;
	s5 =	sld [smem:$0x3FB3]  }
0x2b: {  	s6 =	sld [smem:$0x3FB4]  }
0x2c: {  	s7 =	sld [smem:$0x3FB5]  }
0x2d: {  	s3 =	simm.s32 $0x108;
	s8 =	sld [smem:$0x3FB6]  }
0x2e: {  	s3 =	simm.s32 @!p0 $0x1082;
	s9 =	sld [smem:$0x3FB7]  }
0x2f: {  	lr =	sadd.s32 s0, s3;
	s0 =	sld [smem:$0x3FAE]  }
0x30: {  	s3 =	sld [smem:$0x3FB1]  }
0x31: {  	[smem:$0x3FBA] =	sst s10  }
0x32: {  	s10 =	sld [smem:$0x3FB8];
	_ =	sdelay $0x3  }
0x33: {  	p0 =	seq.s32 s10, $0x1;
	s10 =	sld [smem:$0x3FBA];
	_ =	sdelay $0x3  }
0x34: {  	[smem:$0x3FBA] =	sst s10  }
0x35: {  	s10 =	sld [smem:$0x3FB9];
	_ =	sdelay $0x3  }
0x36: {  	p1 =	seq.s32 s10, $0x1;
	s10 =	sld [smem:$0x3FBA];
	_ =	sdelay $0x3  }
0x37: {  	[smem:$0x3FBA] =	sst s10  }
0x38: {  	s10 =	sld [smem:$0x3FBB]  }
0x39: {  	_ = 	snop;
	(pc) =	sbr.ind lr, $3  }
0x3a: {  	_ = 	snop  }
0x3b: {  	_ = 	snop  }
0x3c: {  	p2 =	seq.s32 s10, $0x1;
	s10 =	sld [smem:$0x3FBA]  }
0x3d: {  	_ =	shalt  }
0x3e: {  	_ =	shalt  }
0x3f: {  	_ =	shalt  }
0x40: {  	_ =	shalt  }
0x41: {  	_ =	shalt  }
0x42: {  	_ =	shalt  }
0x43: {  	_ =	shalt  }
0x44: {  	_ =	shalt  }
0x45: {  	_ =	shalt  }
0x46: {  	_ =	shalt  }
0x47: {  	_ =	shalt  }
0x48: {  	_ =	shalt  }
0x49: {  	_ =	shalt  }
0x4a: {  	_ =	shalt  }
0x4b: {  	_ =	shalt  }
0x4c: {  	_ =	shalt  }
0x4d: {  	_ =	shalt  }
0x4e: {  	_ =	shalt  }
0x4f: {  	_ =	shalt  }
0x50: {  	_ =	shalt  }
0x51: {  	_ =	shalt  }
0x52: {  	_ =	shalt  }
0x53: {  	_ =	shalt  }
0x54: {  	_ =	shalt  }
0x55: {  	_ =	shalt  }
0x56: {  	_ =	shalt  }
0x57: {  	_ =	shalt  }
0x58: {  	_ =	shalt  }
0x59: {  	_ =	shalt  }
0x5a: {  	_ =	shalt  }
0x5b: {  	_ =	shalt  }
0x5c: {  	_ =	shalt  }
0x5d: {  	_ =	shalt  }
0x5e: {  	_ =	shalt  }
0x5f: {  	_ =	shalt  }
0x60: {  	_ =	shalt  }
0x61: {  	_ =	shalt  }
0x62: {  	_ =	shalt  }
0x63: {  	_ =	shalt  }
0x64: {  	_ =	shalt  }
0x65: {  	_ =	shalt  }
0x66: {  	_ =	shalt  }
0x67: {  	_ =	shalt  }
0x68: {  	_ =	shalt  }
0x69: {  	_ =	shalt  }
0x6a: {  	_ =	shalt  }
0x6b: {  	_ =	shalt  }
0x6c: {  	_ =	shalt  }
0x6d: {  	_ =	shalt  }
0x6e: {  	_ =	shalt  }
0x6f: {  	_ =	shalt  }
0x70: {  	_ =	shalt  }
0x71: {  	_ =	shalt  }
0x72: {  	_ =	shalt  }
0x73: {  	_ =	shalt  }
0x74: {  	_ =	shalt  }
0x75: {  	_ =	shalt  }
0x76: {  	_ =	shalt  }
0x77: {  	_ =	shalt  }
0x78: {  	_ =	shalt  }
0x79: {  	_ =	shalt  }
0x7a: {  	_ =	shalt  }
0x7b: {  	_ =	shalt  }
0x7c: {  	_ =	shalt  }
0x7d: {  	_ =	shalt  }
0x7e: {  	_ =	shalt  }
0x7f: {  	_ =	shalt  }
0x80: {  	_ =	shalt  }
0x81: {  	_ =	shalt  }
0x82: {  	_ =	shalt  }
0x83: {  	_ =	shalt  }
0x84: {  	_ =	shalt  }
0x85: {  	_ =	shalt  }
0x86: {  	_ =	shalt  }
0x87: {  	_ =	shalt  }
.Lfunc_end0:
.L_simem_size_0:
called_computation_lowered:
.L_overlay_start_0:
0x88: {  	s2 =	sld [smem:$0x3FD9]  }
0x89: {  	s3 =	sld [smem:$0x3FFE];
	_ =	sdelay $0x1  }
0x8a: {  	s1 =	srdreg.scid  }
0x8b: {  	s0 =	sand.u32 $0x1, s1  }
0x8c: {  	s17 =	sshll.u32 s0, $0xA;
	s2 =	sadd.s32 s3, s2  }
0x8d: {  	s2 =	sadd.s32 s2, s17  }
0x8e: {  	[smem:$0x3FC6] =	sst s2  }
0x8f: {  	_ = 	snop  }
0x90: {  	s2 =	sld [smem:$0x3FD0];
	(tm) =	ssettm $0x1  }
0x91: {  	s18 =	sld [smem:$0x3FFB];
	_ =	sdelay $0x3  }
0x92: {  	_ =	strace s18  }
0x93: {  	s3 =	sld [smem:$0x3FFC];
	_ =	sdelay $0x3  }
0x94: {  	_ =	strace s3  }
0x95: {  	s3 =	sld [smem:$0x3FFD];
	_ =	sdelay $0x3  }
0x96: {  	_ =	strace s3  }
0x97: {  	_ =	strace $0x8FFFFFFF  }
0x98: {  	s19 =	sld [smem:$0x3FDB];
	_ =	sdelay $0x1  }
0x99: {  	s4 =	simm.s32 $_scs_section_size  }
0x9a: {  	s5 =	simm.s32 $_size__tile_overlayer_lowered;
	s6 =	simm.s32 $_tile_overlayer_lowered  }
0x9b: {  	s22 =	simm.s32 $0x1BFF;
	s21 =	sshll.u32 s6, $0x1;
	s3 =	sadd.s32 s4, s19  }
0x9c: {  	s7 =	simm.s32 $0x0;
	s20 =	sshll.u32 s5, $0x1;
	s5 =	sadd.s32 s21, s3  }
0x9d: {  	[timem:s7], [sflag:s22] =	dma.local [hbm:s5], s20  }
0x9e: {  	_ =	swait.ge [sflag:s22], s20  }
0x9f: {  	s4 =	ssub.s32 $0x0, s20;
	[sflag:s22] =	ssyncset.done $0x0  }
0xa0: {  	[sflag:s22] =	ssyncadd.s32 s4;
	_ =	sdelay $0x1  }
0xa1: {  	s23 =	simm.s32 $0x1B8B  }
0xa2: {  	_ =	swait.ge [sflag:s23], $0x1  }
0xa3: {  	[sflag:s23] =	ssyncset.done $0x0  }
0xa4: {  	s25 =	simm.s32 $0x1B8E;
	s24 =	sld [smem:$0x3FFE];
	[sflag:s23] =	ssyncadd.s32 $0xFFFFFFFF  }
0xa5: {  	s26 =	simm.s32 $execute0_lowered;
	[smem:$0x3FD2] =	sst s25  }
0xa6: {  	s5 =	sshll.u32 s26, $0x1;
	_ =	strace $0x80000046;
	[dreg:$0x1] =	wrdreg $0xFFFFFFFF  }
0xa7: {  	s28 =	simm.s32 $_size_execute0_lowered;
	s3 =	sadd.s32 s3, s5;
	[dreg:$0x0] =	wrdreg $0x0  }
0xa8: {  	s5 =	sshll.u32 s28, $0x1;
	[dreg:$0x2] =	wrdreg s3  }
0xa9: {  	[dreg:$0x3] =	wrdreg s5  }
0xaa: {  	[dreg:$0x4] =	wrdreg $0xC0  }
0xab: {  	_ =	task [dreg:s7], $0x5FFFF  }
0xac: {  	[dreg:$0x1] =	wrdreg $0xFFFFFFFF  }
0xad: {  	[dreg:$0x0] =	wrdreg $0x60  }
0xae: {  	[dreg:$0x2] =	wrdreg s24  }
0xaf: {  	[dreg:$0x3] =	wrdreg s2  }
0xb0: {  	[dreg:$0x4] =	wrdreg $0x9  }
0xb1: {  	_ =	task.clear_ibuf [dreg:s7], $0x5FFFF;
	_ =	strace $0x90000046  }
0xb2: {  	s29 =	simm.s32 $0x9;
	_ =	strace $0x80000048  }
0xb3: {  	_ =	swait.ge [sflag:s29], $0x1  }
0xb4: {  	[sflag:s29] =	ssyncadd.s32 $0xFFFFFFFF  }
0xb5: {  	_ =	strace $0x90000048  }
0xb6: {  	_ =	sfence  }
0xb7: {  	s30 =	sld [smem:$0x0];
	_ =	sdelay $0x2  }
0xb8: {  	s31 =	sshll.u32 s1, $0xD;
	s1 =	sshrl.u32 s1, $0x2  }
0xb9: {  	s3 =	sand.u32 $0x4000, s31;
	s1 =	sadd.s32 s1, s30  }
0xba: {  	s0 =	sor.u32 s3, s0;
	s1 =	sshll.u32 s1, $0x11  }
0xbb: {  	s0 =	sor.u32 s1, s0  }
0xbc: {  	s0 =	sadd.s32 $0x8F2B, s0  }
0xbd: {  	[sflag:s0] =	ssyncadd.remote.s32 $0x1  }
0xbe: {  	_ =	sfence.sel $0xFFFF  }
0xbf: {  	[dreg:$0x0] =	wrdreg $0xFFFFFFFF;
	(pc) =	sbr.abs _section_cstart, $3  }
0xc0: {  	[dreg:$0x1] =	wrdreg $0xFFFFFFFF  }
0xc1: {  	_ =	task.clear_ibuf [dreg:s7], $0x2FFFF;
	_ =	strace $0x9FFFFFFF  }
0xc2: {  	(tm) =	ssettm $0x7FFFFFFF  }
0xc3: {  	_ =	shalt  }
tec
execute0_lowered:
.L_overlay_start_1:
0x0: {  	(tag) =	ssettag $0x1  }
0x1: {  	s0 =	rddreg [dreg:$0x0];
	s1 =	srdreg.scid  }
0x2: {  	s2 =	stileid.u32;
	s6 =	rddreg [dreg:$0x1];
	s15 =	simm.s32 $0x68  }
0x3: {  	s16 =	simm.s32 $0xD0;
	s17 =	simm.s32 $0x138;
	s18 =	simm.s32 $0x5  }
0x4: {  	s19 =	simm.s32 $0x64;
	s28 =	simm.s32 $0x1;
	s29 =	simm.s32 $0x2  }
0x5: {  	s30 =	simm.s32 $0x3;
	s31 =	simm.s32 $0x4;
	s20 =	simm.s32 $0x0  }
0x6: {  	s1 =	sand.u32 $0x1, s1;
	s3 =	sshll.u32 s2, $0x1;
	s2 =	simm.s32 $0x0  }
0x7: {  	s4 =	sadd.s32 $0x600, s0;
	s13 =	sor.u32 s1, s3;
	[smem:$0x7FF] =	sst s2  }
0x8: {  	s1 =	ssub.s32 $0x2, s1;
	s3 =	sadd.s32 $0x7A1800, s0;
	s0 =	simm.s32 $0x9  }
0x9: {  	s5 =	smul.u32 $0x340, s13;
	_ =	strace $0x80000047;
	s7 =	sshrl.u32 s1, $0x1  }
0xa: {  	s22 =	sshll.u32 s13, $0x6;
	s26 =	sshll.u32 s13, $0xA;
	s21 =	ssub.s32 s1, s7  }
0xb: {  	s9 =	sor.u32 $0x4, s22;
	s10 =	sor.u32 $0x5, s22;
	s11 =	sor.u32 $0x6, s22  }
.Ltmp0:
0xc: {  	s12 =	sor.u32 $0x7, s22;
	s5 =	sadd.s32 s3, s5;
	(pc) =	sbr.rel .LBB2_1-.Ltmp0, $4  }
0xd: {  	s13 =	sadd.s32 s6, s26;
	s26 =	simm.s32 $0x4CA0;
	s23 =	sadd.s32 $0xD, s5  }
0xe: {  	s14 =	smax.u32 s21, $0x1;
	s24 =	sadd.s32 $0x1A, s5;
	[dreg:$0x3] =	wrdreg s23  }
0xf: {  	s21 =	simm.s32 $0x6;
	s25 =	sadd.s32 $0x27, s5;
	[dreg:$0x4] =	wrdreg s24  }
0x10: {  	[dreg:$0x5] =	wrdreg s25;
	s23 =	simm.s32 $0x7;
	s25 =	simm.s32 $0x8  }
.LBB2_20:
0x11: {  	s20 =	sadd.s32 $0x1, s20  }
0x12: {  	p0 =	sne.s32 s20, s14  }
.Ltmp1:
0x13: {  	s1 =	simm.s32 $0x65A0;
	(pc) =	sbr.rel @!p0 .LBB2_21-.Ltmp1, $4  }
0x14: {  	[hbm4b:s13+s2] =	stream.linear.scatter [tilespmem:s1], [sflag:$0x9], $0x2000, $0x38;
	[tilespmem:$0x85A0] =	vst v63  }
0x15: {  	_ =	swait.ge [sflag:s0], $0x2000  }
0x16: {  	[sflag:s0] =	ssyncset.done $0x0  }
0x17: {  	[sflag:s0] =	ssyncadd.s32 $0xFFFFE000  }
.LBB2_1:
0x18: {  	[tilespmem:s2], [sflag:$0x5] =	stream.linear.gather [hbm4b:s5+s2], $0x68, $0x38;
	[tilespmem:$0x85A0] =	vst v63  }
0x19: {  	s1 =	rddreg [dreg:$0x3]  }
0x1a: {  	[tilespmem:s15], [sflag:$0x6] =	stream.linear.gather [hbm4b:s1+s2], $0x68, $0x38;
	[tilespmem:$0x85A0] =	vst v63  }
0x1b: {  	s6 =	rddreg [dreg:$0x4]  }
0x1c: {  	[tilespmem:s16], [sflag:$0x7] =	stream.linear.gather [hbm4b:s6+s2], $0x68, $0x38;
	[tilespmem:$0x85A0] =	vst v63  }
0x1d: {  	s7 =	rddreg [dreg:$0x5]  }
0x1e: {  	[tilespmem:s17], [sflag:$0x8] =	stream.linear.gather [hbm4b:s7+s2], $0x68, $0x38;
	[tilespmem:$0x85A0] =	vst v63  }
0x1f: {  	_ =	swait.ge [sflag:s18], $0x68  }
0x20: {  	[sflag:s18] =	ssyncset.done $0x0  }
0x21: {  	s8 =	simm.s32 $0x1A0;
	[sflag:s18] =	ssyncadd.s32 $0xFFFFFF98  }
0x22: {  	[tilespmem:s8], [sflag:$0x1] =	stream.indirect.gather [hbm4b:s4+s19], $0x3C, s2, s19, $0xb8;
	[tilespmem:$0x85A0] =	vst v63  }
0x23: {  	_ =	swait.ge [sflag:s21], $0x68  }
0x24: {  	[sflag:s21] =	ssyncset.done $0x0  }
0x25: {  	s22 =	simm.s32 $0x1AA0;
	[sflag:s21] =	ssyncadd.s32 $0xFFFFFF98  }
0x26: {  	[tilespmem:s22], [sflag:$0x2] =	stream.indirect.gather [hbm4b:s4+s19], $0x3C, s15, s19, $0xb8;
	[tilespmem:$0x85A0] =	vst v63  }
0x27: {  	_ =	swait.ge [sflag:s23], $0x68  }
0x28: {  	[sflag:s23] =	ssyncset.done $0x0  }
0x29: {  	s24 =	simm.s32 $0x33A0;
	[sflag:s23] =	ssyncadd.s32 $0xFFFFFF98  }
0x2a: {  	[tilespmem:s24], [sflag:$0x3] =	stream.indirect.gather [hbm4b:s4+s19], $0x3C, s16, s19, $0xb8;
	[tilespmem:$0x85A0] =	vst v63  }
0x2b: {  	_ =	swait.ge [sflag:s25], $0x68  }
0x2c: {  	[sflag:s25] =	ssyncset.done $0x0  }
0x2d: {  	s22 =	simm.s32 $0x0;
	[sflag:s25] =	ssyncadd.s32 $0xFFFFFF98  }
0x2e: {  	[tilespmem:s26], [sflag:$0x4] =	stream.indirect.gather [hbm4b:s4+s19], $0x3C, s17, s19, $0xb8;
	[tilespmem:$0x85A0] =	vst v63  }
.LBB2_2:
0x2f: {  	_ =	swait.ge [sflag:s28], $0x1770  }
0x30: {  	[sflag:s28] =	ssyncset.done $0x0  }
0x31: {  	s6 =	simm.s32 $0x0;
	[sflag:s28] =	ssyncadd.s32 $0xFFFFE890  }
0x32: {  	v1 =	vld [tilespmem:s6+$0x1CC]  }
0x33: {  	v2 =	vld [tilespmem:s6+$0x1A0]  }
0x34: {  	v0 =	vimm.f32 $0.0e+00;
	v3 =	vld [tilespmem:s6+$0x1B0]  }
0x35: {  	s1 =	simm.s32 $0x100;
	v5 =	vimm.f32 $0.0e+00;
	v6 =	vimm.f32 $0.0e+00;
	v7 =	vimm.f32 $0.0e+00;
	v4 =	vld [tilespmem:s6+$0x1C0]  }
.LBB2_3:
0x36: {  	p0 =	sne.s32 s1, $0x3100  }
.Ltmp2:
0x37: {  	s6 =	sshra.s32 s1, $0x2;
	s1 =	sadd.s32 $0x100, s1;
	v0 =	vadd.f32 v1, v0;
	(pc) =	sbr.rel @p0 .LBB2_3-.Ltmp2, $4  }
0x38: {  	v1 =	vld [tilespmem:s6+$0x1CC];
	v5 =	vadd.f32 v2, v5  }
0x39: {  	v2 =	vld [tilespmem:s6+$0x1A0];
	v6 =	vadd.f32 v3, v6  }
0x3a: {  	v3 =	vld [tilespmem:s6+$0x1B0];
	v7 =	vadd.f32 v4, v7  }
0x3b: {  	v4 =	vld [tilespmem:s6+$0x1C0]  }
0x3c: {  	_ =	sdelay $0x1  }
0x3d: {  	v2 =	vadd.f32 v2, v5  }
0x3e: {  	v3 =	vadd.f32 v3, v6  }
0x3f: {  	s1 =	sshll.u32 s22, $0xB;
	v4 =	vadd.f32 v4, v7;
	v2 =	vmul.f32 $1.999999960e-02, v2  }
0x40: {  	v0 =	vadd.f32 v1, v0;
	s24 =	sshra.s32 s1, $0x2;
	v1 =	vmul.f32 $1.999999960e-02, v3  }
0x41: {  	[tilespmem:s24+$0x65A0] =	vst v2;
	v2 =	vmul.f32 $1.999999960e-02, v4  }
0x42: {  	v0 =	vmul.f32 $1.999999960e-02, v0;
	[tilespmem:s24+$0x65B0] =	vst v1  }
0x43: {  	[tilespmem:s24+$0x65C0] =	vst v2  }
0x44: {  	s6 =	simm.s32 $0x0;
	[tilespmem:s24+$0x65CC] =	vst v0  }
0x45: {  	v1 =	vld [tilespmem:s6+$0xE4C]  }
0x46: {  	v2 =	vld [tilespmem:s6+$0xE20]  }
0x47: {  	v5 =	vimm.f32 $0.0e+00;
	v3 =	vld [tilespmem:s6+$0xE30]  }
0x48: {  	s1 =	simm.s32 $0x100;
	v6 =	vimm.f32 $0.0e+00;
	v7 =	vimm.f32 $0.0e+00;
	v0 =	vimm.f32 $0.0e+00;
	v4 =	vld [tilespmem:s6+$0xE40]  }
.LBB2_5:
0x49: {  	p0 =	sne.s32 s1, $0x3100  }
.Ltmp3:
0x4a: {  	s6 =	sshra.s32 s1, $0x2;
	s1 =	sadd.s32 $0x100, s1;
	v0 =	vadd.f32 v1, v0;
	(pc) =	sbr.rel @p0 .LBB2_5-.Ltmp3, $4  }
0x4b: {  	v1 =	vld [tilespmem:s6+$0xE4C];
	v5 =	vadd.f32 v2, v5  }
0x4c: {  	v2 =	vld [tilespmem:s6+$0xE20];
	v6 =	vadd.f32 v3, v6  }
0x4d: {  	v3 =	vld [tilespmem:s6+$0xE30];
	v7 =	vadd.f32 v4, v7  }
0x4e: {  	v4 =	vld [tilespmem:s6+$0xE40]  }
0x4f: {  	_ =	sdelay $0x1  }
0x50: {  	v2 =	vadd.f32 v2, v5  }
0x51: {  	v3 =	vadd.f32 v3, v6  }
0x52: {  	v4 =	vadd.f32 v4, v7;
	v2 =	vmul.f32 $1.999999960e-02, v2  }
0x53: {  	s1 =	sshll.u32 s22, $0x2;
	p0 =	seq.s32 s22, $0xF;
	v0 =	vadd.f32 v1, v0;
	v1 =	vmul.f32 $1.999999960e-02, v3  }
0x54: {  	s6 =	sadd.s32 @!p0 s1, s9;
	[tilespmem:s24+$0x65E0] =	vst v2;
	v2 =	vmul.f32 $1.999999960e-02, v4  }
0x55: {  	s6 =	smul.u32 @!p0 $0xD, s6;
	v0 =	vmul.f32 $1.999999960e-02, v0;
	[tilespmem:s24+$0x65F0] =	vst v1  }
0x56: {  	[tilespmem:s24+$0x6600] =	vst v2  }
0x57: {  	s7 =	simm.s32 @!p0 $0x0;
	s6 =	sadd.s32 @!p0 s3, s6;
	[tilespmem:s24+$0x660C] =	vst v0  }
0x58: {  	[tilespmem:s7], [sflag:$0x5] =	stream.linear.gather @!p0 [hbm4b:s6+s7], $0x68, $0x38;
	[tilespmem:$0x85A0] =	vst v63  }
0x59: {  	s6 =	simm.s32 @!p0 $0x5  }
0x5a: {  	_ =	swait.ge @!p0 [sflag:s6], $0x68  }
0x5b: {  	[sflag:s6] =	ssyncset.done @!p0 $0x0  }
0x5c: {  	s8 =	simm.s32 @!p0 $0x1A0;
	[sflag:s6] =	ssyncadd.s32 @!p0 $0xFFFFFF98;
	s6 =	simm.s32 @!p0 $0x64  }
0x5d: {  	[tilespmem:s8], [sflag:$0x1] =	stream.indirect.gather @!p0 [hbm4b:s4+s6], $0x3C, s7, s6, $0xb8;
	[tilespmem:$0x85A0] =	vst v63  }
0x5e: {  	_ =	swait.ge [sflag:s29], $0x1770  }
0x5f: {  	[sflag:s29] =	ssyncset.done $0x0  }
0x60: {  	s8 =	simm.s32 $0x0;
	[sflag:s29] =	ssyncadd.s32 $0xFFFFE890  }
0x61: {  	v1 =	vld [tilespmem:s8+$0x1ACC]  }
0x62: {  	v2 =	vld [tilespmem:s8+$0x1AA0]  }
0x63: {  	v5 =	vimm.f32 $0.0e+00;
	v3 =	vld [tilespmem:s8+$0x1AB0]  }
0x64: {  	v6 =	vimm.f32 $0.0e+00;
	v7 =	vimm.f32 $0.0e+00;
	v0 =	vimm.f32 $0.0e+00;
	s6 =	simm.s32 $0x100;
	v4 =	vld [tilespmem:s8+$0x1AC0]  }
.LBB2_7:
0x65: {  	p1 =	sne.s32 s6, $0x3100  }
.Ltmp4:
0x66: {  	s7 =	sshra.s32 s6, $0x2;
	s6 =	sadd.s32 $0x100, s6;
	v0 =	vadd.f32 v1, v0;
	(pc) =	sbr.rel @p1 .LBB2_7-.Ltmp4, $4  }
0x67: {  	v1 =	vld [tilespmem:s7+$0x1ACC];
	v5 =	vadd.f32 v2, v5  }
0x68: {  	v2 =	vld [tilespmem:s7+$0x1AA0];
	v6 =	vadd.f32 v3, v6  }
0x69: {  	v3 =	vld [tilespmem:s7+$0x1AB0];
	v7 =	vadd.f32 v4, v7  }
0x6a: {  	v4 =	vld [tilespmem:s7+$0x1AC0]  }
0x6b: {  	_ =	sdelay $0x1  }
0x6c: {  	v2 =	vadd.f32 v2, v5  }
0x6d: {  	v3 =	vadd.f32 v3, v6  }
0x6e: {  	v4 =	vadd.f32 v4, v7;
	v2 =	vmul.f32 $1.999999960e-02, v2  }
0x6f: {  	v0 =	vadd.f32 v1, v0;
	v1 =	vmul.f32 $1.999999960e-02, v3  }
0x70: {  	[tilespmem:s24+$0x6620] =	vst v2;
	v2 =	vmul.f32 $1.999999960e-02, v4  }
0x71: {  	v0 =	vmul.f32 $1.999999960e-02, v0;
	[tilespmem:s24+$0x6630] =	vst v1  }
0x72: {  	[tilespmem:s24+$0x6640] =	vst v2  }
0x73: {  	s7 =	simm.s32 $0x0;
	[tilespmem:s24+$0x664C] =	vst v0  }
0x74: {  	v1 =	vld [tilespmem:s7+$0x274C]  }
0x75: {  	v2 =	vld [tilespmem:s7+$0x2720]  }
0x76: {  	v5 =	vimm.f32 $0.0e+00;
	v3 =	vld [tilespmem:s7+$0x2730]  }
0x77: {  	s6 =	simm.s32 $0x100;
	v6 =	vimm.f32 $0.0e+00;
	v7 =	vimm.f32 $0.0e+00;
	v0 =	vimm.f32 $0.0e+00;
	v4 =	vld [tilespmem:s7+$0x2740]  }
.LBB2_9:
0x78: {  	p1 =	sne.s32 s6, $0x3100  }
.Ltmp5:
0x79: {  	s7 =	sshra.s32 s6, $0x2;
	s6 =	sadd.s32 $0x100, s6;
	v0 =	vadd.f32 v1, v0;
	(pc) =	sbr.rel @p1 .LBB2_9-.Ltmp5, $4  }
0x7a: {  	v1 =	vld [tilespmem:s7+$0x274C];
	v5 =	vadd.f32 v2, v5  }
0x7b: {  	v2 =	vld [tilespmem:s7+$0x2720];
	v6 =	vadd.f32 v3, v6  }
0x7c: {  	v3 =	vld [tilespmem:s7+$0x2730];
	v7 =	vadd.f32 v4, v7  }
0x7d: {  	v4 =	vld [tilespmem:s7+$0x2740]  }
0x7e: {  	_ =	sdelay $0x1  }
0x7f: {  	v2 =	vadd.f32 v2, v5  }
0x80: {  	v3 =	vadd.f32 v3, v6  }
0x81: {  	v4 =	vadd.f32 v4, v7;
	v2 =	vmul.f32 $1.999999960e-02, v2  }
0x82: {  	v0 =	vadd.f32 v1, v0;
	v1 =	vmul.f32 $1.999999960e-02, v3  }
0x83: {  	s6 =	sadd.s32 @!p0 s1, s10;
	[tilespmem:s24+$0x6660] =	vst v2;
	v2 =	vmul.f32 $1.999999960e-02, v4  }
0x84: {  	s6 =	smul.u32 @!p0 $0xD, s6;
	v0 =	vmul.f32 $1.999999960e-02, v0;
	[tilespmem:s24+$0x6670] =	vst v1  }
0x85: {  	[tilespmem:s24+$0x6680] =	vst v2  }
0x86: {  	s7 =	simm.s32 @!p0 $0x0;
	s8 =	simm.s32 @!p0 $0x68;
	s6 =	sadd.s32 @!p0 s3, s6;
	[tilespmem:s24+$0x668C] =	vst v0  }
0x87: {  	[tilespmem:s8], [sflag:$0x6] =	stream.linear.gather @!p0 [hbm4b:s6+s7], $0x68, $0x38;
	[tilespmem:$0x85A0] =	vst v63  }
0x88: {  	s6 =	simm.s32 @!p0 $0x6  }
0x89: {  	_ =	swait.ge @!p0 [sflag:s6], $0x68  }
0x8a: {  	[sflag:s6] =	ssyncset.done @!p0 $0x0  }
0x8b: {  	s7 =	simm.s32 @!p0 $0x1AA0;
	[sflag:s6] =	ssyncadd.s32 @!p0 $0xFFFFFF98;
	s6 =	simm.s32 @!p0 $0x64  }
0x8c: {  	[tilespmem:s7], [sflag:$0x2] =	stream.indirect.gather @!p0 [hbm4b:s4+s6], $0x3C, s8, s6, $0xb8;
	[tilespmem:$0x85A0] =	vst v63  }
0x8d: {  	_ =	swait.ge [sflag:s30], $0x1770  }
0x8e: {  	[sflag:s30] =	ssyncset.done $0x0  }
0x8f: {  	s8 =	simm.s32 $0x0;
	[sflag:s30] =	ssyncadd.s32 $0xFFFFE890  }
0x90: {  	v1 =	vld [tilespmem:s8+$0x33CC]  }
0x91: {  	v2 =	vld [tilespmem:s8+$0x33A0]  }
0x92: {  	v5 =	vimm.f32 $0.0e+00;
	v3 =	vld [tilespmem:s8+$0x33B0]  }
0x93: {  	v6 =	vimm.f32 $0.0e+00;
	v7 =	vimm.f32 $0.0e+00;
	v0 =	vimm.f32 $0.0e+00;
	s6 =	simm.s32 $0x100;
	v4 =	vld [tilespmem:s8+$0x33C0]  }
.LBB2_11:
0x94: {  	p1 =	sne.s32 s6, $0x3100  }
.Ltmp6:
0x95: {  	s7 =	sshra.s32 s6, $0x2;
	s6 =	sadd.s32 $0x100, s6;
	v0 =	vadd.f32 v1, v0;
	(pc) =	sbr.rel @p1 .LBB2_11-.Ltmp6, $4  }
0x96: {  	v1 =	vld [tilespmem:s7+$0x33CC];
	v5 =	vadd.f32 v2, v5  }
0x97: {  	v2 =	vld [tilespmem:s7+$0x33A0];
	v6 =	vadd.f32 v3, v6  }
0x98: {  	v3 =	vld [tilespmem:s7+$0x33B0];
	v7 =	vadd.f32 v4, v7  }
0x99: {  	v4 =	vld [tilespmem:s7+$0x33C0]  }
0x9a: {  	_ =	sdelay $0x1  }
0x9b: {  	v2 =	vadd.f32 v2, v5  }
0x9c: {  	v3 =	vadd.f32 v3, v6  }
0x9d: {  	v4 =	vadd.f32 v4, v7;
	v2 =	vmul.f32 $1.999999960e-02, v2  }
0x9e: {  	v0 =	vadd.f32 v1, v0;
	v1 =	vmul.f32 $1.999999960e-02, v3  }
0x9f: {  	[tilespmem:s24+$0x66A0] =	vst v2;
	v2 =	vmul.f32 $1.999999960e-02, v4  }
0xa0: {  	v0 =	vmul.f32 $1.999999960e-02, v0;
	[tilespmem:s24+$0x66B0] =	vst v1  }
0xa1: {  	[tilespmem:s24+$0x66C0] =	vst v2  }
0xa2: {  	s7 =	simm.s32 $0x0;
	[tilespmem:s24+$0x66CC] =	vst v0  }
0xa3: {  	v1 =	vld [tilespmem:s7+$0x404C]  }
0xa4: {  	v2 =	vld [tilespmem:s7+$0x4020]  }
0xa5: {  	v5 =	vimm.f32 $0.0e+00;
	v3 =	vld [tilespmem:s7+$0x4030]  }
0xa6: {  	s6 =	simm.s32 $0x100;
	v6 =	vimm.f32 $0.0e+00;
	v7 =	vimm.f32 $0.0e+00;
	v0 =	vimm.f32 $0.0e+00;
	v4 =	vld [tilespmem:s7+$0x4040]  }
.LBB2_13:
0xa7: {  	p1 =	sne.s32 s6, $0x3100  }
.Ltmp7:
0xa8: {  	s7 =	sshra.s32 s6, $0x2;
	s6 =	sadd.s32 $0x100, s6;
	v0 =	vadd.f32 v1, v0;
	(pc) =	sbr.rel @p1 .LBB2_13-.Ltmp7, $4  }
0xa9: {  	v1 =	vld [tilespmem:s7+$0x404C];
	v5 =	vadd.f32 v2, v5  }
0xaa: {  	v2 =	vld [tilespmem:s7+$0x4020];
	v6 =	vadd.f32 v3, v6  }
0xab: {  	v3 =	vld [tilespmem:s7+$0x4030];
	v7 =	vadd.f32 v4, v7  }
0xac: {  	v4 =	vld [tilespmem:s7+$0x4040]  }
0xad: {  	_ =	sdelay $0x1  }
0xae: {  	v2 =	vadd.f32 v2, v5  }
0xaf: {  	v3 =	vadd.f32 v3, v6  }
0xb0: {  	v4 =	vadd.f32 v4, v7;
	v2 =	vmul.f32 $1.999999960e-02, v2  }
0xb1: {  	v0 =	vadd.f32 v1, v0;
	v1 =	vmul.f32 $1.999999960e-02, v3  }
0xb2: {  	s6 =	sadd.s32 @!p0 s1, s11;
	[tilespmem:s24+$0x66E0] =	vst v2;
	v2 =	vmul.f32 $1.999999960e-02, v4  }
0xb3: {  	s6 =	smul.u32 @!p0 $0xD, s6;
	v0 =	vmul.f32 $1.999999960e-02, v0;
	[tilespmem:s24+$0x66F0] =	vst v1  }
0xb4: {  	[tilespmem:s24+$0x6700] =	vst v2  }
0xb5: {  	s7 =	simm.s32 @!p0 $0x0;
	s8 =	simm.s32 @!p0 $0xD0;
	s6 =	sadd.s32 @!p0 s3, s6;
	[tilespmem:s24+$0x670C] =	vst v0  }
0xb6: {  	[tilespmem:s8], [sflag:$0x7] =	stream.linear.gather @!p0 [hbm4b:s6+s7], $0x68, $0x38;
	[tilespmem:$0x85A0] =	vst v63  }
0xb7: {  	s6 =	simm.s32 @!p0 $0x7  }
0xb8: {  	_ =	swait.ge @!p0 [sflag:s6], $0x68  }
0xb9: {  	[sflag:s6] =	ssyncset.done @!p0 $0x0  }
0xba: {  	s7 =	simm.s32 @!p0 $0x33A0;
	[sflag:s6] =	ssyncadd.s32 @!p0 $0xFFFFFF98;
	s6 =	simm.s32 @!p0 $0x64  }
0xbb: {  	[tilespmem:s7], [sflag:$0x3] =	stream.indirect.gather @!p0 [hbm4b:s4+s6], $0x3C, s8, s6, $0xb8;
	[tilespmem:$0x85A0] =	vst v63  }
0xbc: {  	_ =	swait.ge [sflag:s31], $0x1770  }
0xbd: {  	[sflag:s31] =	ssyncset.done $0x0  }
0xbe: {  	s8 =	simm.s32 $0x0;
	[sflag:s31] =	ssyncadd.s32 $0xFFFFE890  }
0xbf: {  	v1 =	vld [tilespmem:s8+$0x4CCC]  }
0xc0: {  	v2 =	vld [tilespmem:s8+$0x4CA0]  }
0xc1: {  	v5 =	vimm.f32 $0.0e+00;
	v3 =	vld [tilespmem:s8+$0x4CB0]  }
0xc2: {  	v6 =	vimm.f32 $0.0e+00;
	v7 =	vimm.f32 $0.0e+00;
	v0 =	vimm.f32 $0.0e+00;
	s6 =	simm.s32 $0x100;
	v4 =	vld [tilespmem:s8+$0x4CC0]  }
.LBB2_15:
0xc3: {  	p1 =	sne.s32 s6, $0x3100  }
.Ltmp8:
0xc4: {  	s7 =	sshra.s32 s6, $0x2;
	s6 =	sadd.s32 $0x100, s6;
	v0 =	vadd.f32 v1, v0;
	(pc) =	sbr.rel @p1 .LBB2_15-.Ltmp8, $4  }
0xc5: {  	v1 =	vld [tilespmem:s7+$0x4CCC];
	v5 =	vadd.f32 v2, v5  }
0xc6: {  	v2 =	vld [tilespmem:s7+$0x4CA0];
	v6 =	vadd.f32 v3, v6  }
0xc7: {  	v3 =	vld [tilespmem:s7+$0x4CB0];
	v7 =	vadd.f32 v4, v7  }
0xc8: {  	v4 =	vld [tilespmem:s7+$0x4CC0]  }
0xc9: {  	_ =	sdelay $0x1  }
0xca: {  	v2 =	vadd.f32 v2, v5  }
0xcb: {  	v3 =	vadd.f32 v3, v6  }
0xcc: {  	v4 =	vadd.f32 v4, v7;
	v2 =	vmul.f32 $1.999999960e-02, v2  }
0xcd: {  	v0 =	vadd.f32 v1, v0;
	v1 =	vmul.f32 $1.999999960e-02, v3  }
0xce: {  	[tilespmem:s24+$0x6720] =	vst v2;
	v2 =	vmul.f32 $1.999999960e-02, v4  }
0xcf: {  	v0 =	vmul.f32 $1.999999960e-02, v0;
	[tilespmem:s24+$0x6730] =	vst v1  }
0xd0: {  	[tilespmem:s24+$0x6740] =	vst v2  }
0xd1: {  	s7 =	simm.s32 $0x0;
	[tilespmem:s24+$0x674C] =	vst v0  }
0xd2: {  	v1 =	vld [tilespmem:s7+$0x594C]  }
0xd3: {  	v2 =	vld [tilespmem:s7+$0x5920]  }
0xd4: {  	v5 =	vimm.f32 $0.0e+00;
	v3 =	vld [tilespmem:s7+$0x5930]  }
0xd5: {  	s6 =	simm.s32 $0x100;
	v6 =	vimm.f32 $0.0e+00;
	v7 =	vimm.f32 $0.0e+00;
	v0 =	vimm.f32 $0.0e+00;
	v4 =	vld [tilespmem:s7+$0x5940]  }
.LBB2_17:
0xd6: {  	p1 =	sne.s32 s6, $0x3100  }
.Ltmp9:
0xd7: {  	s7 =	sshra.s32 s6, $0x2;
	s6 =	sadd.s32 $0x100, s6;
	v0 =	vadd.f32 v1, v0;
	(pc) =	sbr.rel @p1 .LBB2_17-.Ltmp9, $4  }
0xd8: {  	v1 =	vld [tilespmem:s7+$0x594C];
	v5 =	vadd.f32 v2, v5  }
0xd9: {  	v2 =	vld [tilespmem:s7+$0x5920];
	v6 =	vadd.f32 v3, v6  }
0xda: {  	v3 =	vld [tilespmem:s7+$0x5930];
	v7 =	vadd.f32 v4, v7  }
0xdb: {  	v4 =	vld [tilespmem:s7+$0x5940]  }
0xdc: {  	_ =	sdelay $0x1  }
0xdd: {  	v2 =	vadd.f32 v2, v5  }
0xde: {  	v3 =	vadd.f32 v3, v6  }
0xdf: {  	v4 =	vadd.f32 v4, v7;
	v2 =	vmul.f32 $1.999999960e-02, v2  }
.Ltmp10:
0xe0: {  	v0 =	vadd.f32 v1, v0;
	v62 =	vmul.f32 $1.999999960e-02, v3;
	(pc) =	sbr.rel @p0 .LBB2_20-.Ltmp10, $4  }
0xe1: {  	[tilespmem:s24+$0x6760] =	vst v2;
	v63 =	vmul.f32 $1.999999960e-02, v4  }
0xe2: {  	v0 =	vmul.f32 $1.999999960e-02, v0;
	[tilespmem:s24+$0x6770] =	vst v62  }
0xe3: {  	[tilespmem:s24+$0x6780] =	vst v63  }
0xe4: {  	[tilespmem:s24+$0x678C] =	vst v0  }
0xe5: {  	s1 =	sadd.s32 s1, s12  }
0xe6: {  	s1 =	smul.u32 $0xD, s1;
	_ =	sdelay $0x1  }
0xe7: {  	s1 =	sadd.s32 s3, s1  }
0xe8: {  	[tilespmem:s17], [sflag:$0x8] =	stream.linear.gather [hbm4b:s1+s2], $0x68, $0x38;
	[tilespmem:$0x85A0] =	vst v63  }
.Ltmp11:
0xe9: {  	_ = 	snop;
	(pc) =	sbr.rel .LBB2_2-.Ltmp11, $4  }
0xea: {  	_ =	swait.ge [sflag:s25], $0x68  }
0xeb: {  	[sflag:s25] =	ssyncset.done $0x0  }
0xec: {  	s22 =	sadd.s32 $0x1, s22;
	[sflag:s25] =	ssyncadd.s32 $0xFFFFFF98  }
0xed: {  	[tilespmem:s26], [sflag:$0x4] =	stream.indirect.gather [hbm4b:s4+s19], $0x3C, s17, s19, $0xb8;
	[tilespmem:$0x85A0] =	vst v63  }
.LBB2_21:
0xee: {  	_ =	sfence.sel $0x180000  }
0xef: {  	[bflag:$0x0] =	sbarrier.arrive $0xFFFF  }
0xf0: {  	_ =	strace $0x90000047  }
0xf1: {  	s0 =	stileid.u32;
	[bflag:$0x2] =	sbarrier.arrive $0xFFFF  }
0xf2: {  	p0 =	sne.s32 s0, $0x0;
	s0 =	rddreg [dreg:$0x2]  }
0xf3: {  	s0 =	sadd.s32 @!p0 $0x100000, s0  }
0xf4: {  	[sflag:s0] =	ssyncadd.tile.s32 @!p0 $0x1;
	_ =	shalt  }
.Lfunc_end2:
_tile_overlayer_lowered:
.L_overlay_start_2:
0xf5: {  	(tag) =	ssettag $0x2  }
0xf6: {  	s0 =	rddreg [dreg:$0x0];
	s2 =	stileid.u32  }
0xf7: {  	s1 =	rddreg [dreg:$0x1];
	p0 =	sne.s32 s2, $0x0  }
0xf8: {  	s3 =	rddreg [dreg:$0x2];
	[bflag:$0x3] =	sbarrier.arrive $0xFFFF;
	s2 =	simm.s32 @!p0 $0x1C09  }
0xf9: {  	[timem:s3], [sflag:s2] =	dma.local @!p0 [hbm:s0], s1  }
0xfa: {  	s0 =	simm.s32 @!p0 $0x9  }
0xfb: {  	_ =	swait.ge @!p0 [sflag:s0], s1  }
0xfc: {  	s1 =	ssub.s32 @!p0 $0x0, s1;
	[sflag:s0] =	ssyncset.done @!p0 $0x0  }
0xfd: {  	[sflag:s0] =	ssyncadd.s32 @!p0 s1  }
0xfe: {  	[bflag:$0x3] =	sbarrier.arrive $0xFFFF  }
0xff: {  	_ =	shalt  }

</sc_bundles>
